<compile_context>
chip_gen: v7x
topology: tpu7x:2x2x1
jax: 0.10.2.dev20260603
libtpu: 0.0.44.dev20260713+nightly
codegen_flags: <defaults>
</compile_context>

<pallas_src>
import functools
import math

import jax
import jax.numpy as jnp
import numpy as np
from jax import lax
from jax.experimental import pallas as pl
from jax.experimental.pallas import tpu as pltpu
from jax.experimental.pallas import tpu_sc as plsc

N_ROWS = 8192
N_COLS = 32000
PAD = 0
EPS = float(np.float32(0.1 / (N_COLS - 1)))
CONF = 0.9
C_ROW = (N_COLS - 1) * EPS * math.log(EPS) + CONF * math.log(CONF)
CME = CONF - EPS

NC = 2
NS = 16
L = 16
NW = NC * NS
PER_W = N_ROWS // NW
NGRP = PER_W // L


@functools.cache
def _make_sc_kernel():
    mesh = plsc.VectorSubcoreMesh(core_axis_name="c", subcore_axis_name="s")

    @functools.partial(
        pl.kernel,
        mesh=mesh,
        out_type=jax.ShapeDtypeStruct((NW, L), jnp.float32),
        scratch_types=[
            pltpu.VMEM((PER_W,), jnp.int32),
            pltpu.VMEM((PER_W * L,), jnp.float32),
            pltpu.VMEM((L,), jnp.float32),
            pltpu.SemaphoreType.DMA,
        ],
    )
    def _sc_kernel(x2_hbm, tgt_hbm, gout_hbm, tgt_v, val_v, acc_v, sem):
        wid = lax.axis_index("s") * NC + lax.axis_index("c")
        base = wid * PER_W
        pltpu.sync_copy(tgt_hbm.at[pl.ds(base, PER_W)], tgt_v)

        def fire(g, carry):
            tchunk = tgt_v[pl.ds(g * L, L)]
            for j in range(L):
                slot = g * L + j
                t_s = tchunk[j]
                goff = (t_s // L) * L
                pltpu.async_copy(
                    x2_hbm.at[base + slot, pl.ds(goff, L)],
                    val_v.at[pl.ds(slot * L, L)],
                    sem,
                )
            return carry

        lax.fori_loop(0, NGRP, fire, 0)
        pltpu.make_async_copy(
            x2_hbm.at[0, pl.ds(0, PER_W * L)], val_v, sem).wait()

        def acc_loop(g, acc):
            tchunk = tgt_v[pl.ds(g * L, L)]
            for j in range(L):
                slot = g * L + j
                t_s = tchunk[j]
                goff = (t_s // L) * L
                chunk = val_v[pl.ds(slot * L, L)]
                gvec = chunk.at[
                    jnp.full((L,), t_s - goff, jnp.int32)
                ].get(mode="promise_in_bounds")
                m = jnp.where(t_s != PAD, 1.0 / L, 0.0)
                acc = acc + m * gvec
            return acc

        acc = lax.fori_loop(0, NGRP, acc_loop, jnp.zeros((L,), jnp.float32))
        acc_v[...] = acc
        pltpu.sync_copy(acc_v, gout_hbm.at[wid])

    return _sc_kernel


ROW_BLK = 128
GRID = N_ROWS // ROW_BLK


def _tc_body(x_ref, t_ref, out_ref):
    i = pl.program_id(0)

    @pl.when(i == 0)
    def _init():
        out_ref[0, 0] = 0.0

    xb = x_ref[...]
    tb = t_ref[...]
    wb = jnp.where(tb != PAD, 1.0, 0.0).astype(jnp.float32)
    rs = jnp.sum(xb, axis=1)
    out_ref[0, 0] += jnp.sum(wb * (C_ROW - EPS * rs))


_tc_call = pl.pallas_call(
    _tc_body,
    grid=(GRID,),
    in_specs=[
        pl.BlockSpec((ROW_BLK, N_COLS), lambda i: (i, 0)),
        pl.BlockSpec((ROW_BLK,), lambda i: (i,)),
    ],
    out_specs=pl.BlockSpec(
        (1, 1), lambda i: (0, 0), memory_space=pltpu.SMEM
    ),
    out_shape=jax.ShapeDtypeStruct((1, 1), jnp.float32),
)


def _combine_body(dense_ref, g_ref, out_ref):
    out_ref[0, 0] = dense_ref[0, 0] - CME * jnp.sum(g_ref[...])


_combine_call = pl.pallas_call(
    _combine_body,
    in_specs=[
        pl.BlockSpec(memory_space=pltpu.SMEM),
        pl.BlockSpec((NW, L), lambda: (0, 0)),
    ],
    out_specs=pl.BlockSpec(memory_space=pltpu.SMEM),
    out_shape=jax.ShapeDtypeStruct((1, 1), jnp.float32),
)


def kernel(x, target):
    tgt = target.astype(jnp.int32)
    gparts = _make_sc_kernel()(x, tgt)
    dense = _tc_call(x, tgt)
    out = _combine_call(dense, gparts)
    return out[0, 0]

# --- scband reference (transcript-rebuilt; emitter-appended) ---
"""Pipeline reference for scband-label-smoothing-28956669510302 (READ-ONLY COPY).

The authoritative reference and input builder live on the scoring server;
editing this copy changes nothing except your own understanding.
"""

import jax, jax.numpy as jnp
import numpy as np

SIZE = 32000
PADDING_IDX = 0
SMOOTHING = 0.1
CONFIDENCE = 1.0 - SMOOTHING


def setup_inputs(seed: int = 0) -> dict:
    key = jax.random.key(seed)
    k1, k2 = jax.random.split(key)
    x = jax.random.normal(k1, (8192, SIZE), dtype=jnp.float32)
    target = jax.random.randint(k2, (8192,), 0, SIZE, dtype=jnp.int64)
    return {"x": x, "target": target}


def reference(x, target):
    assert x.shape[1] == SIZE
    n = x.shape[0]
    # true_dist filled with smoothing / (size - 1)
    true_dist = jnp.full(x.shape, SMOOTHING / (SIZE - 1), dtype=x.dtype)
    # scatter confidence at target positions (scatter-overwrite along dim 1)
    true_dist = true_dist.at[jnp.arange(n), target].set(CONFIDENCE)
    # zero out rows where target == padding_idx (index_fill_ with 0.0)
    pad_mask = (target == PADDING_IDX)
    true_dist = jnp.where(pad_mask[:, None], 0.0, true_dist)
    # KLDivLoss(size_average=False): sum over all elements of
    #   true_dist * (log(true_dist) - x), with 0 * log(0) := 0
    safe_td = jnp.where(true_dist > 0, true_dist, 1.0)
    log_td = jnp.where(true_dist > 0, jnp.log(safe_td), 0.0)
    loss = jnp.sum(true_dist * (log_td - x))
    return loss

if __name__ == "__main__":
    import jax
    _d = setup_inputs()
    print(jax.jit(kernel)(*tuple(_d.values())))

</pallas_src>

<mosaic_0001>
#map = affine_map<(d0, d1) -> (0, 0)>
#map1 = affine_map<(d0, d1) -> (0)>
module attributes {stable_mosaic.version = 14 : i64} {
  func.func @_sc_kernel(%arg0: i32, %arg1: i32, %arg2: memref<8192x32000xf32, #tpu.memory_space<hbm>>, %arg3: memref<8192xi32, #tpu.memory_space<hbm>>, %arg4: memref<32x16xf32, #tpu.memory_space<hbm>>, %arg5: memref<256xi32, #tpu.memory_space<vmem>>, %arg6: memref<4096xf32, #tpu.memory_space<vmem>>, %arg7: memref<16xf32, #tpu.memory_space<vmem>>, %arg8: memref<!tpu.dma_semaphore, #tpu.memory_space<semaphore_mem>>) attributes {dimension_semantics = [#tpu.dimension_semantics<core_parallel>, #tpu.dimension_semantics<subcore_parallel>], iteration_bounds = array<i64: 2, 16>, scalar_prefetch = 0 : i64, scratch_operands = 4 : i64, tpu.core_type = #tpu.core_type<sc_vector_subcore>, window_params = [{transform_indices = #map}, {transform_indices = #map1}, {transform_indices = #map}]} {
    %mul3A = arith.constant 2 : i32
    %mul3A_0 = arith.muli %arg1, %mul3A : i32
    %add3A = arith.addi %mul3A_0, %arg0 : i32
    %mul3A_1 = arith.constant 256 : i32
    %mul3A_2 = arith.muli %add3A, %mul3A_1 : i32
    "tpu.region"() ({
      %run_scoped3A = tpu.sem_alloc : memref<!tpu.dma_semaphore, #tpu.memory_space<semaphore_mem>>
      %dma_start3A = tpu.memref_slice %arg3[%mul3A_2] : memref<8192xi32, #tpu.memory_space<hbm>> -> memref<256xi32, #tpu.memory_space<hbm>>
      %dma_start3A_24 = tpu.memref_slice %arg3[%mul3A_2] : memref<8192xi32, #tpu.memory_space<hbm>> -> memref<256xi32, #tpu.memory_space<hbm>>
      tpu.enqueue_dma source(%dma_start3A_24 : memref<256xi32, #tpu.memory_space<hbm>>) target(%arg5 : memref<256xi32, #tpu.memory_space<vmem>>) target_semaphore(%run_scoped3A : memref<!tpu.dma_semaphore, #tpu.memory_space<semaphore_mem>>)
      %dma_wait3A_25 = tpu.memref_slice %arg3[%mul3A_2] : memref<8192xi32, #tpu.memory_space<hbm>> -> memref<256xi32, #tpu.memory_space<hbm>>
      %dma_wait3A_26 = tpu.memref_slice %arg3[%mul3A_2] : memref<8192xi32, #tpu.memory_space<hbm>> -> memref<256xi32, #tpu.memory_space<hbm>>
      tpu.wait_dma2 semaphore(%run_scoped3A : memref<!tpu.dma_semaphore, #tpu.memory_space<semaphore_mem>>) src(%dma_wait3A_26 : memref<256xi32, #tpu.memory_space<hbm>>) dst(%arg5 : memref<256xi32, #tpu.memory_space<vmem>>)
      tpu.yield
    }) : () -> ()
    %scan3A = arith.constant 0 : i32
    %scan3A_3 = arith.constant 0 : i32
    %scan3A_4 = arith.constant 16 : i32
    %scan3A_5 = arith.addi %scan3A_3, %scan3A_4 : i32
    %scan3A_6 = arith.constant 1 : i32
    scf.for %scan3A_24 = %scan3A_3 to %scan3A_5 step %scan3A_6  : i32 {
      %mul3A_25 = arith.constant 16 : i32
      %mul3A_26 = arith.muli %scan3A_24, %mul3A_25 : i32
      %get3A = arith.index_cast %mul3A_26 : i32 to index
      %get3A_27 = tpu.vector_load %arg5[%get3A] {strides = array<i32>} : memref<256xi32, #tpu.memory_space<vmem>>, vector<16xi32>,
      %get3A_28 = vector.shape_cast %get3A_27 : vector<16xi32> to vector<16xi32>
      %mul3A_29 = arith.constant 16 : i32
      %mul3A_30 = arith.muli %scan3A_24, %mul3A_29 : i32
      %add3A_31 = arith.constant 0 : i32
      %add3A_32 = arith.addi %mul3A_30, %add3A_31 : i32
      %slice3A = vector.extract_strided_slice %get3A_28 {offsets = [0], sizes = [1], strides = [1]} : vector<16xi32> to vector<1xi32>
      %squeeze3A = vector.extract %slice3A[0] : i32 from vector<1xi32>
      %jit3A = arith.constant 16 : i32
      %div3A = arith.divsi %squeeze3A, %jit3A : i32
      %sign3A = arith.constant 0 : i32
      %sign3A_33 = arith.cmpi sgt, %squeeze3A, %sign3A : i32
      %sign3A_34 = arith.extui %sign3A_33 : i1 to i32
      %sign3A_35 = arith.constant 0 : i32
      %sign3A_36 = arith.cmpi slt, %squeeze3A, %sign3A_35 : i32
      %sign3A_37 = arith.extui %sign3A_36 : i1 to i32
      %sign3A_38 = arith.subi %sign3A_34, %sign3A_37 : i32
      %sign3A_39 = arith.constant 0 : i32
      %sign3A_40 = arith.cmpi sgt, %jit3A, %sign3A_39 : i32
      %sign3A_41 = arith.extui %sign3A_40 : i1 to i32
      %sign3A_42 = arith.constant 0 : i32
      %sign3A_43 = arith.cmpi slt, %jit3A, %sign3A_42 : i32
      %sign3A_44 = arith.extui %sign3A_43 : i1 to i32
      %sign3A_45 = arith.subi %sign3A_41, %sign3A_44 : i32
      %ne3A = arith.cmpi ne, %sign3A_38, %sign3A_45 : i32
      %rem3A = arith.remsi %squeeze3A, %jit3A : i32
      %ne3A_46 = arith.constant 0 : i32
      %ne3A_47 = arith.cmpi ne, %rem3A, %ne3A_46 : i32
      %and3A = arith.andi %ne3A, %ne3A_47 : i1
      %sub3A = arith.constant 1 : i32
      %sub3A_48 = arith.subi %div3A, %sub3A : i32
      %select_n3A = arith.select %and3A, %sub3A_48, %div3A : i32
      %mul3A_49 = arith.constant 16 : i32
      %mul3A_50 = arith.muli %select_n3A, %mul3A_49 : i32
      %add3A_51 = arith.addi %mul3A_2, %add3A_32 : i32
      %mul3A_52 = arith.constant 16 : i32
      %mul3A_53 = arith.muli %add3A_32, %mul3A_52 : i32
      %dma_start3A = tpu.memref_slice %arg6[%mul3A_53] : memref<4096xf32, #tpu.memory_space<vmem>> -> memref<16xf32, #tpu.memory_space<vmem>>
      %dma_start3A_54 = tpu.memref_slice %arg2[%add3A_51, %mul3A_50] : memref<8192x32000xf32, #tpu.memory_space<hbm>> -> memref<1x16xf32, #tpu.memory_space<hbm>>
      %dma_start3A_55 = tpu.memref_squeeze %dma_start3A_54 : memref<1x16xf32, #tpu.memory_space<hbm>> -> memref<16xf32, #tpu.memory_space<hbm>>
      %dma_start3A_56 = tpu.memref_slice %arg6[%mul3A_53] : memref<4096xf32, #tpu.memory_space<vmem>> -> memref<16xf32, #tpu.memory_space<vmem>>
      %dma_start3A_57 = tpu.memref_slice %arg2[%add3A_51, %mul3A_50] : memref<8192x32000xf32, #tpu.memory_space<hbm>> -> memref<1x16xf32, #tpu.memory_space<hbm>>
      %dma_start3A_58 = tpu.memref_squeeze %dma_start3A_57 : memref<1x16xf32, #tpu.memory_space<hbm>> -> memref<16xf32, #tpu.memory_space<hbm>>
      tpu.enqueue_dma source(%dma_start3A_58 : memref<16xf32, #tpu.memory_space<hbm>>) target(%dma_start3A_56 : memref<16xf32, #tpu.memory_space<vmem>>) target_semaphore(%arg8 : memref<!tpu.dma_semaphore, #tpu.memory_space<semaphore_mem>>)
      %mul3A_59 = arith.constant 16 : i32
      %mul3A_60 = arith.muli %scan3A_24, %mul3A_59 : i32
      %add3A_61 = arith.constant 1 : i32
      %add3A_62 = arith.addi %mul3A_60, %add3A_61 : i32
      %slice3A_63 = vector.extract_strided_slice %get3A_28 {offsets = [1], sizes = [1], strides = [1]} : vector<16xi32> to vector<1xi32>
      %squeeze3A_64 = vector.extract %slice3A_63[0] : i32 from vector<1xi32>
      %jit3A_65 = arith.constant 16 : i32
      %div3A_66 = arith.divsi %squeeze3A_64, %jit3A_65 : i32
      %sign3A_67 = arith.constant 0 : i32
      %sign3A_68 = arith.cmpi sgt, %squeeze3A_64, %sign3A_67 : i32
      %sign3A_69 = arith.extui %sign3A_68 : i1 to i32
      %sign3A_70 = arith.constant 0 : i32
      %sign3A_71 = arith.cmpi slt, %squeeze3A_64, %sign3A_70 : i32
      %sign3A_72 = arith.extui %sign3A_71 : i1 to i32
      %sign3A_73 = arith.subi %sign3A_69, %sign3A_72 : i32
      %sign3A_74 = arith.constant 0 : i32
      %sign3A_75 = arith.cmpi sgt, %jit3A_65, %sign3A_74 : i32
      %sign3A_76 = arith.extui %sign3A_75 : i1 to i32
      %sign3A_77 = arith.constant 0 : i32
      %sign3A_78 = arith.cmpi slt, %jit3A_65, %sign3A_77 : i32
      %sign3A_79 = arith.extui %sign3A_78 : i1 to i32
      %sign3A_80 = arith.subi %sign3A_76, %sign3A_79 : i32
      %ne3A_81 = arith.cmpi ne, %sign3A_73, %sign3A_80 : i32
      %rem3A_82 = arith.remsi %squeeze3A_64, %jit3A_65 : i32
      %ne3A_83 = arith.constant 0 : i32
      %ne3A_84 = arith.cmpi ne, %rem3A_82, %ne3A_83 : i32
      %and3A_85 = arith.andi %ne3A_81, %ne3A_84 : i1
      %sub3A_86 = arith.constant 1 : i32
      %sub3A_87 = arith.subi %div3A_66, %sub3A_86 : i32
      %select_n3A_88 = arith.select %and3A_85, %sub3A_87, %div3A_66 : i32
      %mul3A_89 = arith.constant 16 : i32
      %mul3A_90 = arith.muli %select_n3A_88, %mul3A_89 : i32
      %add3A_91 = arith.addi %mul3A_2, %add3A_62 : i32
      %mul3A_92 = arith.constant 16 : i32
      %mul3A_93 = arith.muli %add3A_62, %mul3A_92 : i32
      %dma_start3A_94 = tpu.memref_slice %arg6[%mul3A_93] : memref<4096xf32, #tpu.memory_space<vmem>> -> memref<16xf32, #tpu.memory_space<vmem>>
      %dma_start3A_95 = tpu.memref_slice %arg2[%add3A_91, %mul3A_90] : memref<8192x32000xf32, #tpu.memory_space<hbm>> -> memref<1x16xf32, #tpu.memory_space<hbm>>
      %dma_start3A_96 = tpu.memref_squeeze %dma_start3A_95 : memref<1x16xf32, #tpu.memory_space<hbm>> -> memref<16xf32, #tpu.memory_space<hbm>>
      %dma_start3A_97 = tpu.memref_slice %arg6[%mul3A_93] : memref<4096xf32, #tpu.memory_space<vmem>> -> memref<16xf32, #tpu.memory_space<vmem>>
      %dma_start3A_98 = tpu.memref_slice %arg2[%add3A_91, %mul3A_90] : memref<8192x32000xf32, #tpu.memory_space<hbm>> -> memref<1x16xf32, #tpu.memory_space<hbm>>
      %dma_start3A_99 = tpu.memref_squeeze %dma_start3A_98 : memref<1x16xf32, #tpu.memory_space<hbm>> -> memref<16xf32, #tpu.memory_space<hbm>>
      tpu.enqueue_dma source(%dma_start3A_99 : memref<16xf32, #tpu.memory_space<hbm>>) target(%dma_start3A_97 : memref<16xf32, #tpu.memory_space<vmem>>) target_semaphore(%arg8 : memref<!tpu.dma_semaphore, #tpu.memory_space<semaphore_mem>>)
      %mul3A_100 = arith.constant 16 : i32
      %mul3A_101 = arith.muli %scan3A_24, %mul3A_100 : i32
      %add3A_102 = arith.constant 2 : i32
      %add3A_103 = arith.addi %mul3A_101, %add3A_102 : i32
      %slice3A_104 = vector.extract_strided_slice %get3A_28 {offsets = [2], sizes = [1], strides = [1]} : vector<16xi32> to vector<1xi32>
      %squeeze3A_105 = vector.extract %slice3A_104[0] : i32 from vector<1xi32>
      %jit3A_106 = arith.constant 16 : i32
      %div3A_107 = arith.divsi %squeeze3A_105, %jit3A_106 : i32
      %sign3A_108 = arith.constant 0 : i32
      %sign3A_109 = arith.cmpi sgt, %squeeze3A_105, %sign3A_108 : i32
      %sign3A_110 = arith.extui %sign3A_109 : i1 to i32
      %sign3A_111 = arith.constant 0 : i32
      %sign3A_112 = arith.cmpi slt, %squeeze3A_105, %sign3A_111 : i32
      %sign3A_113 = arith.extui %sign3A_112 : i1 to i32
      %sign3A_114 = arith.subi %sign3A_110, %sign3A_113 : i32
      %sign3A_115 = arith.constant 0 : i32
      %sign3A_116 = arith.cmpi sgt, %jit3A_106, %sign3A_115 : i32
      %sign3A_117 = arith.extui %sign3A_116 : i1 to i32
      %sign3A_118 = arith.constant 0 : i32
      %sign3A_119 = arith.cmpi slt, %jit3A_106, %sign3A_118 : i32
      %sign3A_120 = arith.extui %sign3A_119 : i1 to i32
      %sign3A_121 = arith.subi %sign3A_117, %sign3A_120 : i32
      %ne3A_122 = arith.cmpi ne, %sign3A_114, %sign3A_121 : i32
      %rem3A_123 = arith.remsi %squeeze3A_105, %jit3A_106 : i32
      %ne3A_124 = arith.constant 0 : i32
      %ne3A_125 = arith.cmpi ne, %rem3A_123, %ne3A_124 : i32
      %and3A_126 = arith.andi %ne3A_122, %ne3A_125 : i1
      %sub3A_127 = arith.constant 1 : i32
      %sub3A_128 = arith.subi %div3A_107, %sub3A_127 : i32
      %select_n3A_129 = arith.select %and3A_126, %sub3A_128, %div3A_107 : i32
      %mul3A_130 = arith.constant 16 : i32
      %mul3A_131 = arith.muli %select_n3A_129, %mul3A_130 : i32
      %add3A_132 = arith.addi %mul3A_2, %add3A_103 : i32
      %mul3A_133 = arith.constant 16 : i32
      %mul3A_134 = arith.muli %add3A_103, %mul3A_133 : i32
      %dma_start3A_135 = tpu.memref_slice %arg6[%mul3A_134] : memref<4096xf32, #tpu.memory_space<vmem>> -> memref<16xf32, #tpu.memory_space<vmem>>
      %dma_start3A_136 = tpu.memref_slice %arg2[%add3A_132, %mul3A_131] : memref<8192x32000xf32, #tpu.memory_space<hbm>> -> memref<1x16xf32, #tpu.memory_space<hbm>>
      %dma_start3A_137 = tpu.memref_squeeze %dma_start3A_136 : memref<1x16xf32, #tpu.memory_space<hbm>> -> memref<16xf32, #tpu.memory_space<hbm>>
      %dma_start3A_138 = tpu.memref_slice %arg6[%mul3A_134] : memref<4096xf32, #tpu.memory_space<vmem>> -> memref<16xf32, #tpu.memory_space<vmem>>
      %dma_start3A_139 = tpu.memref_slice %arg2[%add3A_132, %mul3A_131] : memref<8192x32000xf32, #tpu.memory_space<hbm>> -> memref<1x16xf32, #tpu.memory_space<hbm>>
      %dma_start3A_140 = tpu.memref_squeeze %dma_start3A_139 : memref<1x16xf32, #tpu.memory_space<hbm>> -> memref<16xf32, #tpu.memory_space<hbm>>
      tpu.enqueue_dma source(%dma_start3A_140 : memref<16xf32, #tpu.memory_space<hbm>>) target(%dma_start3A_138 : memref<16xf32, #tpu.memory_space<vmem>>) target_semaphore(%arg8 : memref<!tpu.dma_semaphore, #tpu.memory_space<semaphore_mem>>)
      %mul3A_141 = arith.constant 16 : i32
      %mul3A_142 = arith.muli %scan3A_24, %mul3A_141 : i32
      %add3A_143 = arith.constant 3 : i32
      %add3A_144 = arith.addi %mul3A_142, %add3A_143 : i32
      %slice3A_145 = vector.extract_strided_slice %get3A_28 {offsets = [3], sizes = [1], strides = [1]} : vector<16xi32> to vector<1xi32>
      %squeeze3A_146 = vector.extract %slice3A_145[0] : i32 from vector<1xi32>
      %jit3A_147 = arith.constant 16 : i32
      %div3A_148 = arith.divsi %squeeze3A_146, %jit3A_147 : i32
      %sign3A_149 = arith.constant 0 : i32
      %sign3A_150 = arith.cmpi sgt, %squeeze3A_146, %sign3A_149 : i32
      %sign3A_151 = arith.extui %sign3A_150 : i1 to i32
      %sign3A_152 = arith.constant 0 : i32
      %sign3A_153 = arith.cmpi slt, %squeeze3A_146, %sign3A_152 : i32
      %sign3A_154 = arith.extui %sign3A_153 : i1 to i32
      %sign3A_155 = arith.subi %sign3A_151, %sign3A_154 : i32
      %sign3A_156 = arith.constant 0 : i32
      %sign3A_157 = arith.cmpi sgt, %jit3A_147, %sign3A_156 : i32
      %sign3A_158 = arith.extui %sign3A_157 : i1 to i32
      %sign3A_159 = arith.constant 0 : i32
      %sign3A_160 = arith.cmpi slt, %jit3A_147, %sign3A_159 : i32
      %sign3A_161 = arith.extui %sign3A_160 : i1 to i32
      %sign3A_162 = arith.subi %sign3A_158, %sign3A_161 : i32
      %ne3A_163 = arith.cmpi ne, %sign3A_155, %sign3A_162 : i32
      %rem3A_164 = arith.remsi %squeeze3A_146, %jit3A_147 : i32
      %ne3A_165 = arith.constant 0 : i32
      %ne3A_166 = arith.cmpi ne, %rem3A_164, %ne3A_165 : i32
      %and3A_167 = arith.andi %ne3A_163, %ne3A_166 : i1
      %sub3A_168 = arith.constant 1 : i32
      %sub3A_169 = arith.subi %div3A_148, %sub3A_168 : i32
      %select_n3A_170 = arith.select %and3A_167, %sub3A_169, %div3A_148 : i32
      %mul3A_171 = arith.constant 16 : i32
      %mul3A_172 = arith.muli %select_n3A_170, %mul3A_171 : i32
      %add3A_173 = arith.addi %mul3A_2, %add3A_144 : i32
      %mul3A_174 = arith.constant 16 : i32
      %mul3A_175 = arith.muli %add3A_144, %mul3A_174 : i32
      %dma_start3A_176 = tpu.memref_slice %arg6[%mul3A_175] : memref<4096xf32, #tpu.memory_space<vmem>> -> memref<16xf32, #tpu.memory_space<vmem>>
      %dma_start3A_177 = tpu.memref_slice %arg2[%add3A_173, %mul3A_172] : memref<8192x32000xf32, #tpu.memory_space<hbm>> -> memref<1x16xf32, #tpu.memory_space<hbm>>
      %dma_start3A_178 = tpu.memref_squeeze %dma_start3A_177 : memref<1x16xf32, #tpu.memory_space<hbm>> -> memref<16xf32, #tpu.memory_space<hbm>>
      %dma_start3A_179 = tpu.memref_slice %arg6[%mul3A_175] : memref<4096xf32, #tpu.memory_space<vmem>> -> memref<16xf32, #tpu.memory_space<vmem>>
      %dma_start3A_180 = tpu.memref_slice %arg2[%add3A_173, %mul3A_172] : memref<8192x32000xf32, #tpu.memory_space<hbm>> -> memref<1x16xf32, #tpu.memory_space<hbm>>
      %dma_start3A_181 = tpu.memref_squeeze %dma_start3A_180 : memref<1x16xf32, #tpu.memory_space<hbm>> -> memref<16xf32, #tpu.memory_space<hbm>>
      tpu.enqueue_dma source(%dma_start3A_181 : memref<16xf32, #tpu.memory_space<hbm>>) target(%dma_start3A_179 : memref<16xf32, #tpu.memory_space<vmem>>) target_semaphore(%arg8 : memref<!tpu.dma_semaphore, #tpu.memory_space<semaphore_mem>>)
      %mul3A_182 = arith.constant 16 : i32
      %mul3A_183 = arith.muli %scan3A_24, %mul3A_182 : i32
      %add3A_184 = arith.constant 4 : i32
      %add3A_185 = arith.addi %mul3A_183, %add3A_184 : i32
      %slice3A_186 = vector.extract_strided_slice %get3A_28 {offsets = [4], sizes = [1], strides = [1]} : vector<16xi32> to vector<1xi32>
      %squeeze3A_187 = vector.extract %slice3A_186[0] : i32 from vector<1xi32>
      %jit3A_188 = arith.constant 16 : i32
      %div3A_189 = arith.divsi %squeeze3A_187, %jit3A_188 : i32
      %sign3A_190 = arith.constant 0 : i32
      %sign3A_191 = arith.cmpi sgt, %squeeze3A_187, %sign3A_190 : i32
      %sign3A_192 = arith.extui %sign3A_191 : i1 to i32
      %sign3A_193 = arith.constant 0 : i32
      %sign3A_194 = arith.cmpi slt, %squeeze3A_187, %sign3A_193 : i32
      %sign3A_195 = arith.extui %sign3A_194 : i1 to i32
      %sign3A_196 = arith.subi %sign3A_192, %sign3A_195 : i32
      %sign3A_197 = arith.constant 0 : i32
      %sign3A_198 = arith.cmpi sgt, %jit3A_188, %sign3A_197 : i32
      %sign3A_199 = arith.extui %sign3A_198 : i1 to i32
      %sign3A_200 = arith.constant 0 : i32
      %sign3A_201 = arith.cmpi slt, %jit3A_188, %sign3A_200 : i32
      %sign3A_202 = arith.extui %sign3A_201 : i1 to i32
      %sign3A_203 = arith.subi %sign3A_199, %sign3A_202 : i32
      %ne3A_204 = arith.cmpi ne, %sign3A_196, %sign3A_203 : i32
      %rem3A_205 = arith.remsi %squeeze3A_187, %jit3A_188 : i32
      %ne3A_206 = arith.constant 0 : i32
      %ne3A_207 = arith.cmpi ne, %rem3A_205, %ne3A_206 : i32
      %and3A_208 = arith.andi %ne3A_204, %ne3A_207 : i1
      %sub3A_209 = arith.constant 1 : i32
      %sub3A_210 = arith.subi %div3A_189, %sub3A_209 : i32
      %select_n3A_211 = arith.select %and3A_208, %sub3A_210, %div3A_189 : i32
      %mul3A_212 = arith.constant 16 : i32
      %mul3A_213 = arith.muli %select_n3A_211, %mul3A_212 : i32
      %add3A_214 = arith.addi %mul3A_2, %add3A_185 : i32
      %mul3A_215 = arith.constant 16 : i32
      %mul3A_216 = arith.muli %add3A_185, %mul3A_215 : i32
      %dma_start3A_217 = tpu.memref_slice %arg6[%mul3A_216] : memref<4096xf32, #tpu.memory_space<vmem>> -> memref<16xf32, #tpu.memory_space<vmem>>
      %dma_start3A_218 = tpu.memref_slice %arg2[%add3A_214, %mul3A_213] : memref<8192x32000xf32, #tpu.memory_space<hbm>> -> memref<1x16xf32, #tpu.memory_space<hbm>>
      %dma_start3A_219 = tpu.memref_squeeze %dma_start3A_218 : memref<1x16xf32, #tpu.memory_space<hbm>> -> memref<16xf32, #tpu.memory_space<hbm>>
      %dma_start3A_220 = tpu.memref_slice %arg6[%mul3A_216] : memref<4096xf32, #tpu.memory_space<vmem>> -> memref<16xf32, #tpu.memory_space<vmem>>
      %dma_start3A_221 = tpu.memref_slice %arg2[%add3A_214, %mul3A_213] : memref<8192x32000xf32, #tpu.memory_space<hbm>> -> memref<1x16xf32, #tpu.memory_space<hbm>>
      %dma_start3A_222 = tpu.memref_squeeze %dma_start3A_221 : memref<1x16xf32, #tpu.memory_space<hbm>> -> memref<16xf32, #tpu.memory_space<hbm>>
      tpu.enqueue_dma source(%dma_start3A_222 : memref<16xf32, #tpu.memory_space<hbm>>) target(%dma_start3A_220 : memref<16xf32, #tpu.memory_space<vmem>>) target_semaphore(%arg8 : memref<!tpu.dma_semaphore, #tpu.memory_space<semaphore_mem>>)
      %mul3A_223 = arith.constant 16 : i32
      %mul3A_224 = arith.muli %scan3A_24, %mul3A_223 : i32
      %add3A_225 = arith.constant 5 : i32
      %add3A_226 = arith.addi %mul3A_224, %add3A_225 : i32
      %slice3A_227 = vector.extract_strided_slice %get3A_28 {offsets = [5], sizes = [1], strides = [1]} : vector<16xi32> to vector<1xi32>
      %squeeze3A_228 = vector.extract %slice3A_227[0] : i32 from vector<1xi32>
      %jit3A_229 = arith.constant 16 : i32
      %div3A_230 = arith.divsi %squeeze3A_228, %jit3A_229 : i32
      %sign3A_231 = arith.constant 0 : i32
      %sign3A_232 = arith.cmpi sgt, %squeeze3A_228, %sign3A_231 : i32
      %sign3A_233 = arith.extui %sign3A_232 : i1 to i32
      %sign3A_234 = arith.constant 0 : i32
      %sign3A_235 = arith.cmpi slt, %squeeze3A_228, %sign3A_234 : i32
      %sign3A_236 = arith.extui %sign3A_235 : i1 to i32
      %sign3A_237 = arith.subi %sign3A_233, %sign3A_236 : i32
      %sign3A_238 = arith.constant 0 : i32
      %sign3A_239 = arith.cmpi sgt, %jit3A_229, %sign3A_238 : i32
      %sign3A_240 = arith.extui %sign3A_239 : i1 to i32
      %sign3A_241 = arith.constant 0 : i32
      %sign3A_242 = arith.cmpi slt, %jit3A_229, %sign3A_241 : i32
      %sign3A_243 = arith.extui %sign3A_242 : i1 to i32
      %sign3A_244 = arith.subi %sign3A_240, %sign3A_243 : i32
      %ne3A_245 = arith.cmpi ne, %sign3A_237, %sign3A_244 : i32
      %rem3A_246 = arith.remsi %squeeze3A_228, %jit3A_229 : i32
      %ne3A_247 = arith.constant 0 : i32
      %ne3A_248 = arith.cmpi ne, %rem3A_246, %ne3A_247 : i32
      %and3A_249 = arith.andi %ne3A_245, %ne3A_248 : i1
      %sub3A_250 = arith.constant 1 : i32
      %sub3A_251 = arith.subi %div3A_230, %sub3A_250 : i32
      %select_n3A_252 = arith.select %and3A_249, %sub3A_251, %div3A_230 : i32
      %mul3A_253 = arith.constant 16 : i32
      %mul3A_254 = arith.muli %select_n3A_252, %mul3A_253 : i32
      %add3A_255 = arith.addi %mul3A_2, %add3A_226 : i32
      %mul3A_256 = arith.constant 16 : i32
      %mul3A_257 = arith.muli %add3A_226, %mul3A_256 : i32
      %dma_start3A_258 = tpu.memref_slice %arg6[%mul3A_257] : memref<4096xf32, #tpu.memory_space<vmem>> -> memref<16xf32, #tpu.memory_space<vmem>>
      %dma_start3A_259 = tpu.memref_slice %arg2[%add3A_255, %mul3A_254] : memref<8192x32000xf32, #tpu.memory_space<hbm>> -> memref<1x16xf32, #tpu.memory_space<hbm>>
      %dma_start3A_260 = tpu.memref_squeeze %dma_start3A_259 : memref<1x16xf32, #tpu.memory_space<hbm>> -> memref<16xf32, #tpu.memory_space<hbm>>
      %dma_start3A_261 = tpu.memref_slice %arg6[%mul3A_257] : memref<4096xf32, #tpu.memory_space<vmem>> -> memref<16xf32, #tpu.memory_space<vmem>>
      %dma_start3A_262 = tpu.memref_slice %arg2[%add3A_255, %mul3A_254] : memref<8192x32000xf32, #tpu.memory_space<hbm>> -> memref<1x16xf32, #tpu.memory_space<hbm>>
      %dma_start3A_263 = tpu.memref_squeeze %dma_start3A_262 : memref<1x16xf32, #tpu.memory_space<hbm>> -> memref<16xf32, #tpu.memory_space<hbm>>
      tpu.enqueue_dma source(%dma_start3A_263 : memref<16xf32, #tpu.memory_space<hbm>>) target(%dma_start3A_261 : memref<16xf32, #tpu.memory_space<vmem>>) target_semaphore(%arg8 : memref<!tpu.dma_semaphore, #tpu.memory_space<semaphore_mem>>)
      %mul3A_264 = arith.constant 16 : i32
      %mul3A_265 = arith.muli %scan3A_24, %mul3A_264 : i32
      %add3A_266 = arith.constant 6 : i32
      %add3A_267 = arith.addi %mul3A_265, %add3A_266 : i32
      %slice3A_268 = vector.extract_strided_slice %get3A_28 {offsets = [6], sizes = [1], strides = [1]} : vector<16xi32> to vector<1xi32>
      %squeeze3A_269 = vector.extract %slice3A_268[0] : i32 from vector<1xi32>
      %jit3A_270 = arith.constant 16 : i32
      %div3A_271 = arith.divsi %squeeze3A_269, %jit3A_270 : i32
      %sign3A_272 = arith.constant 0 : i32
      %sign3A_273 = arith.cmpi sgt, %squeeze3A_269, %sign3A_272 : i32
      %sign3A_274 = arith.extui %sign3A_273 : i1 to i32
      %sign3A_275 = arith.constant 0 : i32
      %sign3A_276 = arith.cmpi slt, %squeeze3A_269, %sign3A_275 : i32
      %sign3A_277 = arith.extui %sign3A_276 : i1 to i32
      %sign3A_278 = arith.subi %sign3A_274, %sign3A_277 : i32
      %sign3A_279 = arith.constant 0 : i32
      %sign3A_280 = arith.cmpi sgt, %jit3A_270, %sign3A_279 : i32
      %sign3A_281 = arith.extui %sign3A_280 : i1 to i32
      %sign3A_282 = arith.constant 0 : i32
      %sign3A_283 = arith.cmpi slt, %jit3A_270, %sign3A_282 : i32
      %sign3A_284 = arith.extui %sign3A_283 : i1 to i32
      %sign3A_285 = arith.subi %sign3A_281, %sign3A_284 : i32
      %ne3A_286 = arith.cmpi ne, %sign3A_278, %sign3A_285 : i32
      %rem3A_287 = arith.remsi %squeeze3A_269, %jit3A_270 : i32
      %ne3A_288 = arith.constant 0 : i32
      %ne3A_289 = arith.cmpi ne, %rem3A_287, %ne3A_288 : i32
      %and3A_290 = arith.andi %ne3A_286, %ne3A_289 : i1
      %sub3A_291 = arith.constant 1 : i32
      %sub3A_292 = arith.subi %div3A_271, %sub3A_291 : i32
      %select_n3A_293 = arith.select %and3A_290, %sub3A_292, %div3A_271 : i32
      %mul3A_294 = arith.constant 16 : i32
      %mul3A_295 = arith.muli %select_n3A_293, %mul3A_294 : i32
      %add3A_296 = arith.addi %mul3A_2, %add3A_267 : i32
      %mul3A_297 = arith.constant 16 : i32
      %mul3A_298 = arith.muli %add3A_267, %mul3A_297 : i32
      %dma_start3A_299 = tpu.memref_slice %arg6[%mul3A_298] : memref<4096xf32, #tpu.memory_space<vmem>> -> memref<16xf32, #tpu.memory_space<vmem>>
      %dma_start3A_300 = tpu.memref_slice %arg2[%add3A_296, %mul3A_295] : memref<8192x32000xf32, #tpu.memory_space<hbm>> -> memref<1x16xf32, #tpu.memory_space<hbm>>
      %dma_start3A_301 = tpu.memref_squeeze %dma_start3A_300 : memref<1x16xf32, #tpu.memory_space<hbm>> -> memref<16xf32, #tpu.memory_space<hbm>>
      %dma_start3A_302 = tpu.memref_slice %arg6[%mul3A_298] : memref<4096xf32, #tpu.memory_space<vmem>> -> memref<16xf32, #tpu.memory_space<vmem>>
      %dma_start3A_303 = tpu.memref_slice %arg2[%add3A_296, %mul3A_295] : memref<8192x32000xf32, #tpu.memory_space<hbm>> -> memref<1x16xf32, #tpu.memory_space<hbm>>
      %dma_start3A_304 = tpu.memref_squeeze %dma_start3A_303 : memref<1x16xf32, #tpu.memory_space<hbm>> -> memref<16xf32, #tpu.memory_space<hbm>>
      tpu.enqueue_dma source(%dma_start3A_304 : memref<16xf32, #tpu.memory_space<hbm>>) target(%dma_start3A_302 : memref<16xf32, #tpu.memory_space<vmem>>) target_semaphore(%arg8 : memref<!tpu.dma_semaphore, #tpu.memory_space<semaphore_mem>>)
      %mul3A_305 = arith.constant 16 : i32
      %mul3A_306 = arith.muli %scan3A_24, %mul3A_305 : i32
      %add3A_307 = arith.constant 7 : i32
      %add3A_308 = arith.addi %mul3A_306, %add3A_307 : i32
      %slice3A_309 = vector.extract_strided_slice %get3A_28 {offsets = [7], sizes = [1], strides = [1]} : vector<16xi32> to vector<1xi32>
      %squeeze3A_310 = vector.extract %slice3A_309[0] : i32 from vector<1xi32>
      %jit3A_311 = arith.constant 16 : i32
      %div3A_312 = arith.divsi %squeeze3A_310, %jit3A_311 : i32
      %sign3A_313 = arith.constant 0 : i32
      %sign3A_314 = arith.cmpi sgt, %squeeze3A_310, %sign3A_313 : i32
      %sign3A_315 = arith.extui %sign3A_314 : i1 to i32
      %sign3A_316 = arith.constant 0 : i32
      %sign3A_317 = arith.cmpi slt, %squeeze3A_310, %sign3A_316 : i32
      %sign3A_318 = arith.extui %sign3A_317 : i1 to i32
      %sign3A_319 = arith.subi %sign3A_315, %sign3A_318 : i32
      %sign3A_320 = arith.constant 0 : i32
      %sign3A_321 = arith.cmpi sgt, %jit3A_311, %sign3A_320 : i32
      %sign3A_322 = arith.extui %sign3A_321 : i1 to i32
      %sign3A_323 = arith.constant 0 : i32
      %sign3A_324 = arith.cmpi slt, %jit3A_311, %sign3A_323 : i32
      %sign3A_325 = arith.extui %sign3A_324 : i1 to i32
      %sign3A_326 = arith.subi %sign3A_322, %sign3A_325 : i32
      %ne3A_327 = arith.cmpi ne, %sign3A_319, %sign3A_326 : i32
      %rem3A_328 = arith.remsi %squeeze3A_310, %jit3A_311 : i32
      %ne3A_329 = arith.constant 0 : i32
      %ne3A_330 = arith.cmpi ne, %rem3A_328, %ne3A_329 : i32
      %and3A_331 = arith.andi %ne3A_327, %ne3A_330 : i1
      %sub3A_332 = arith.constant 1 : i32
      %sub3A_333 = arith.subi %div3A_312, %sub3A_332 : i32
      %select_n3A_334 = arith.select %and3A_331, %sub3A_333, %div3A_312 : i32
      %mul3A_335 = arith.constant 16 : i32
      %mul3A_336 = arith.muli %select_n3A_334, %mul3A_335 : i32
      %add3A_337 = arith.addi %mul3A_2, %add3A_308 : i32
      %mul3A_338 = arith.constant 16 : i32
      %mul3A_339 = arith.muli %add3A_308, %mul3A_338 : i32
      %dma_start3A_340 = tpu.memref_slice %arg6[%mul3A_339] : memref<4096xf32, #tpu.memory_space<vmem>> -> memref<16xf32, #tpu.memory_space<vmem>>
      %dma_start3A_341 = tpu.memref_slice %arg2[%add3A_337, %mul3A_336] : memref<8192x32000xf32, #tpu.memory_space<hbm>> -> memref<1x16xf32, #tpu.memory_space<hbm>>
      %dma_start3A_342 = tpu.memref_squeeze %dma_start3A_341 : memref<1x16xf32, #tpu.memory_space<hbm>> -> memref<16xf32, #tpu.memory_space<hbm>>
      %dma_start3A_343 = tpu.memref_slice %arg6[%mul3A_339] : memref<4096xf32, #tpu.memory_space<vmem>> -> memref<16xf32, #tpu.memory_space<vmem>>
      %dma_start3A_344 = tpu.memref_slice %arg2[%add3A_337, %mul3A_336] : memref<8192x32000xf32, #tpu.memory_space<hbm>> -> memref<1x16xf32, #tpu.memory_space<hbm>>
      %dma_start3A_345 = tpu.memref_squeeze %dma_start3A_344 : memref<1x16xf32, #tpu.memory_space<hbm>> -> memref<16xf32, #tpu.memory_space<hbm>>
      tpu.enqueue_dma source(%dma_start3A_345 : memref<16xf32, #tpu.memory_space<hbm>>) target(%dma_start3A_343 : memref<16xf32, #tpu.memory_space<vmem>>) target_semaphore(%arg8 : memref<!tpu.dma_semaphore, #tpu.memory_space<semaphore_mem>>)
      %mul3A_346 = arith.constant 16 : i32
      %mul3A_347 = arith.muli %scan3A_24, %mul3A_346 : i32
      %add3A_348 = arith.constant 8 : i32
      %add3A_349 = arith.addi %mul3A_347, %add3A_348 : i32
      %slice3A_350 = vector.extract_strided_slice %get3A_28 {offsets = [8], sizes = [1], strides = [1]} : vector<16xi32> to vector<1xi32>
      %squeeze3A_351 = vector.extract %slice3A_350[0] : i32 from vector<1xi32>
      %jit3A_352 = arith.constant 16 : i32
      %div3A_353 = arith.divsi %squeeze3A_351, %jit3A_352 : i32
      %sign3A_354 = arith.constant 0 : i32
      %sign3A_355 = arith.cmpi sgt, %squeeze3A_351, %sign3A_354 : i32
      %sign3A_356 = arith.extui %sign3A_355 : i1 to i32
      %sign3A_357 = arith.constant 0 : i32
      %sign3A_358 = arith.cmpi slt, %squeeze3A_351, %sign3A_357 : i32
      %sign3A_359 = arith.extui %sign3A_358 : i1 to i32
      %sign3A_360 = arith.subi %sign3A_356, %sign3A_359 : i32
      %sign3A_361 = arith.constant 0 : i32
      %sign3A_362 = arith.cmpi sgt, %jit3A_352, %sign3A_361 : i32
      %sign3A_363 = arith.extui %sign3A_362 : i1 to i32
      %sign3A_364 = arith.constant 0 : i32
      %sign3A_365 = arith.cmpi slt, %jit3A_352, %sign3A_364 : i32
      %sign3A_366 = arith.extui %sign3A_365 : i1 to i32
      %sign3A_367 = arith.subi %sign3A_363, %sign3A_366 : i32
      %ne3A_368 = arith.cmpi ne, %sign3A_360, %sign3A_367 : i32
      %rem3A_369 = arith.remsi %squeeze3A_351, %jit3A_352 : i32
      %ne3A_370 = arith.constant 0 : i32
      %ne3A_371 = arith.cmpi ne, %rem3A_369, %ne3A_370 : i32
      %and3A_372 = arith.andi %ne3A_368, %ne3A_371 : i1
      %sub3A_373 = arith.constant 1 : i32
      %sub3A_374 = arith.subi %div3A_353, %sub3A_373 : i32
      %select_n3A_375 = arith.select %and3A_372, %sub3A_374, %div3A_353 : i32
      %mul3A_376 = arith.constant 16 : i32
      %mul3A_377 = arith.muli %select_n3A_375, %mul3A_376 : i32
      %add3A_378 = arith.addi %mul3A_2, %add3A_349 : i32
      %mul3A_379 = arith.constant 16 : i32
      %mul3A_380 = arith.muli %add3A_349, %mul3A_379 : i32
      %dma_start3A_381 = tpu.memref_slice %arg6[%mul3A_380] : memref<4096xf32, #tpu.memory_space<vmem>> -> memref<16xf32, #tpu.memory_space<vmem>>
      %dma_start3A_382 = tpu.memref_slice %arg2[%add3A_378, %mul3A_377] : memref<8192x32000xf32, #tpu.memory_space<hbm>> -> memref<1x16xf32, #tpu.memory_space<hbm>>
      %dma_start3A_383 = tpu.memref_squeeze %dma_start3A_382 : memref<1x16xf32, #tpu.memory_space<hbm>> -> memref<16xf32, #tpu.memory_space<hbm>>
      %dma_start3A_384 = tpu.memref_slice %arg6[%mul3A_380] : memref<4096xf32, #tpu.memory_space<vmem>> -> memref<16xf32, #tpu.memory_space<vmem>>
      %dma_start3A_385 = tpu.memref_slice %arg2[%add3A_378, %mul3A_377] : memref<8192x32000xf32, #tpu.memory_space<hbm>> -> memref<1x16xf32, #tpu.memory_space<hbm>>
      %dma_start3A_386 = tpu.memref_squeeze %dma_start3A_385 : memref<1x16xf32, #tpu.memory_space<hbm>> -> memref<16xf32, #tpu.memory_space<hbm>>
      tpu.enqueue_dma source(%dma_start3A_386 : memref<16xf32, #tpu.memory_space<hbm>>) target(%dma_start3A_384 : memref<16xf32, #tpu.memory_space<vmem>>) target_semaphore(%arg8 : memref<!tpu.dma_semaphore, #tpu.memory_space<semaphore_mem>>)
      %mul3A_387 = arith.constant 16 : i32
      %mul3A_388 = arith.muli %scan3A_24, %mul3A_387 : i32
      %add3A_389 = arith.constant 9 : i32
      %add3A_390 = arith.addi %mul3A_388, %add3A_389 : i32
      %slice3A_391 = vector.extract_strided_slice %get3A_28 {offsets = [9], sizes = [1], strides = [1]} : vector<16xi32> to vector<1xi32>
      %squeeze3A_392 = vector.extract %slice3A_391[0] : i32 from vector<1xi32>
      %jit3A_393 = arith.constant 16 : i32
      %div3A_394 = arith.divsi %squeeze3A_392, %jit3A_393 : i32
      %sign3A_395 = arith.constant 0 : i32
      %sign3A_396 = arith.cmpi sgt, %squeeze3A_392, %sign3A_395 : i32
      %sign3A_397 = arith.extui %sign3A_396 : i1 to i32
      %sign3A_398 = arith.constant 0 : i32
      %sign3A_399 = arith.cmpi slt, %squeeze3A_392, %sign3A_398 : i32
      %sign3A_400 = arith.extui %sign3A_399 : i1 to i32
      %sign3A_401 = arith.subi %sign3A_397, %sign3A_400 : i32
      %sign3A_402 = arith.constant 0 : i32
      %sign3A_403 = arith.cmpi sgt, %jit3A_393, %sign3A_402 : i32
      %sign3A_404 = arith.extui %sign3A_403 : i1 to i32
      %sign3A_405 = arith.constant 0 : i32
      %sign3A_406 = arith.cmpi slt, %jit3A_393, %sign3A_405 : i32
      %sign3A_407 = arith.extui %sign3A_406 : i1 to i32
      %sign3A_408 = arith.subi %sign3A_404, %sign3A_407 : i32
      %ne3A_409 = arith.cmpi ne, %sign3A_401, %sign3A_408 : i32
      %rem3A_410 = arith.remsi %squeeze3A_392, %jit3A_393 : i32
      %ne3A_411 = arith.constant 0 : i32
      %ne3A_412 = arith.cmpi ne, %rem3A_410, %ne3A_411 : i32
      %and3A_413 = arith.andi %ne3A_409, %ne3A_412 : i1
      %sub3A_414 = arith.constant 1 : i32
      %sub3A_415 = arith.subi %div3A_394, %sub3A_414 : i32
      %select_n3A_416 = arith.select %and3A_413, %sub3A_415, %div3A_394 : i32
      %mul3A_417 = arith.constant 16 : i32
      %mul3A_418 = arith.muli %select_n3A_416, %mul3A_417 : i32
      %add3A_419 = arith.addi %mul3A_2, %add3A_390 : i32
      %mul3A_420 = arith.constant 16 : i32
      %mul3A_421 = arith.muli %add3A_390, %mul3A_420 : i32
      %dma_start3A_422 = tpu.memref_slice %arg6[%mul3A_421] : memref<4096xf32, #tpu.memory_space<vmem>> -> memref<16xf32, #tpu.memory_space<vmem>>
      %dma_start3A_423 = tpu.memref_slice %arg2[%add3A_419, %mul3A_418] : memref<8192x32000xf32, #tpu.memory_space<hbm>> -> memref<1x16xf32, #tpu.memory_space<hbm>>
      %dma_start3A_424 = tpu.memref_squeeze %dma_start3A_423 : memref<1x16xf32, #tpu.memory_space<hbm>> -> memref<16xf32, #tpu.memory_space<hbm>>
      %dma_start3A_425 = tpu.memref_slice %arg6[%mul3A_421] : memref<4096xf32, #tpu.memory_space<vmem>> -> memref<16xf32, #tpu.memory_space<vmem>>
      %dma_start3A_426 = tpu.memref_slice %arg2[%add3A_419, %mul3A_418] : memref<8192x32000xf32, #tpu.memory_space<hbm>> -> memref<1x16xf32, #tpu.memory_space<hbm>>
      %dma_start3A_427 = tpu.memref_squeeze %dma_start3A_426 : memref<1x16xf32, #tpu.memory_space<hbm>> -> memref<16xf32, #tpu.memory_space<hbm>>
      tpu.enqueue_dma source(%dma_start3A_427 : memref<16xf32, #tpu.memory_space<hbm>>) target(%dma_start3A_425 : memref<16xf32, #tpu.memory_space<vmem>>) target_semaphore(%arg8 : memref<!tpu.dma_semaphore, #tpu.memory_space<semaphore_mem>>)
      %mul3A_428 = arith.constant 16 : i32
      %mul3A_429 = arith.muli %scan3A_24, %mul3A_428 : i32
      %add3A_430 = arith.constant 10 : i32
      %add3A_431 = arith.addi %mul3A_429, %add3A_430 : i32
      %slice3A_432 = vector.extract_strided_slice %get3A_28 {offsets = [10], sizes = [1], strides = [1]} : vector<16xi32> to vector<1xi32>
      %squeeze3A_433 = vector.extract %slice3A_432[0] : i32 from vector<1xi32>
      %jit3A_434 = arith.constant 16 : i32
      %div3A_435 = arith.divsi %squeeze3A_433, %jit3A_434 : i32
      %sign3A_436 = arith.constant 0 : i32
      %sign3A_437 = arith.cmpi sgt, %squeeze3A_433, %sign3A_436 : i32
      %sign3A_438 = arith.extui %sign3A_437 : i1 to i32
      %sign3A_439 = arith.constant 0 : i32
      %sign3A_440 = arith.cmpi slt, %squeeze3A_433, %sign3A_439 : i32
      %sign3A_441 = arith.extui %sign3A_440 : i1 to i32
      %sign3A_442 = arith.subi %sign3A_438, %sign3A_441 : i32
      %sign3A_443 = arith.constant 0 : i32
      %sign3A_444 = arith.cmpi sgt, %jit3A_434, %sign3A_443 : i32
      %sign3A_445 = arith.extui %sign3A_444 : i1 to i32
      %sign3A_446 = arith.constant 0 : i32
      %sign3A_447 = arith.cmpi slt, %jit3A_434, %sign3A_446 : i32
      %sign3A_448 = arith.extui %sign3A_447 : i1 to i32
      %sign3A_449 = arith.subi %sign3A_445, %sign3A_448 : i32
      %ne3A_450 = arith.cmpi ne, %sign3A_442, %sign3A_449 : i32
      %rem3A_451 = arith.remsi %squeeze3A_433, %jit3A_434 : i32
      %ne3A_452 = arith.constant 0 : i32
      %ne3A_453 = arith.cmpi ne, %rem3A_451, %ne3A_452 : i32
      %and3A_454 = arith.andi %ne3A_450, %ne3A_453 : i1
      %sub3A_455 = arith.constant 1 : i32
      %sub3A_456 = arith.subi %div3A_435, %sub3A_455 : i32
      %select_n3A_457 = arith.select %and3A_454, %sub3A_456, %div3A_435 : i32
      %mul3A_458 = arith.constant 16 : i32
      %mul3A_459 = arith.muli %select_n3A_457, %mul3A_458 : i32
      %add3A_460 = arith.addi %mul3A_2, %add3A_431 : i32
      %mul3A_461 = arith.constant 16 : i32
      %mul3A_462 = arith.muli %add3A_431, %mul3A_461 : i32
      %dma_start3A_463 = tpu.memref_slice %arg6[%mul3A_462] : memref<4096xf32, #tpu.memory_space<vmem>> -> memref<16xf32, #tpu.memory_space<vmem>>
      %dma_start3A_464 = tpu.memref_slice %arg2[%add3A_460, %mul3A_459] : memref<8192x32000xf32, #tpu.memory_space<hbm>> -> memref<1x16xf32, #tpu.memory_space<hbm>>
      %dma_start3A_465 = tpu.memref_squeeze %dma_start3A_464 : memref<1x16xf32, #tpu.memory_space<hbm>> -> memref<16xf32, #tpu.memory_space<hbm>>
      %dma_start3A_466 = tpu.memref_slice %arg6[%mul3A_462] : memref<4096xf32, #tpu.memory_space<vmem>> -> memref<16xf32, #tpu.memory_space<vmem>>
      %dma_start3A_467 = tpu.memref_slice %arg2[%add3A_460, %mul3A_459] : memref<8192x32000xf32, #tpu.memory_space<hbm>> -> memref<1x16xf32, #tpu.memory_space<hbm>>
      %dma_start3A_468 = tpu.memref_squeeze %dma_start3A_467 : memref<1x16xf32, #tpu.memory_space<hbm>> -> memref<16xf32, #tpu.memory_space<hbm>>
      tpu.enqueue_dma source(%dma_start3A_468 : memref<16xf32, #tpu.memory_space<hbm>>) target(%dma_start3A_466 : memref<16xf32, #tpu.memory_space<vmem>>) target_semaphore(%arg8 : memref<!tpu.dma_semaphore, #tpu.memory_space<semaphore_mem>>)
      %mul3A_469 = arith.constant 16 : i32
      %mul3A_470 = arith.muli %scan3A_24, %mul3A_469 : i32
      %add3A_471 = arith.constant 11 : i32
      %add3A_472 = arith.addi %mul3A_470, %add3A_471 : i32
      %slice3A_473 = vector.extract_strided_slice %get3A_28 {offsets = [11], sizes = [1], strides = [1]} : vector<16xi32> to vector<1xi32>
      %squeeze3A_474 = vector.extract %slice3A_473[0] : i32 from vector<1xi32>
      %jit3A_475 = arith.constant 16 : i32
      %div3A_476 = arith.divsi %squeeze3A_474, %jit3A_475 : i32
      %sign3A_477 = arith.constant 0 : i32
      %sign3A_478 = arith.cmpi sgt, %squeeze3A_474, %sign3A_477 : i32
      %sign3A_479 = arith.extui %sign3A_478 : i1 to i32
      %sign3A_480 = arith.constant 0 : i32
      %sign3A_481 = arith.cmpi slt, %squeeze3A_474, %sign3A_480 : i32
      %sign3A_482 = arith.extui %sign3A_481 : i1 to i32
      %sign3A_483 = arith.subi %sign3A_479, %sign3A_482 : i32
      %sign3A_484 = arith.constant 0 : i32
      %sign3A_485 = arith.cmpi sgt, %jit3A_475, %sign3A_484 : i32
      %sign3A_486 = arith.extui %sign3A_485 : i1 to i32
      %sign3A_487 = arith.constant 0 : i32
      %sign3A_488 = arith.cmpi slt, %jit3A_475, %sign3A_487 : i32
      %sign3A_489 = arith.extui %sign3A_488 : i1 to i32
      %sign3A_490 = arith.subi %sign3A_486, %sign3A_489 : i32
      %ne3A_491 = arith.cmpi ne, %sign3A_483, %sign3A_490 : i32
      %rem3A_492 = arith.remsi %squeeze3A_474, %jit3A_475 : i32
      %ne3A_493 = arith.constant 0 : i32
      %ne3A_494 = arith.cmpi ne, %rem3A_492, %ne3A_493 : i32
      %and3A_495 = arith.andi %ne3A_491, %ne3A_494 : i1
      %sub3A_496 = arith.constant 1 : i32
      %sub3A_497 = arith.subi %div3A_476, %sub3A_496 : i32
      %select_n3A_498 = arith.select %and3A_495, %sub3A_497, %div3A_476 : i32
      %mul3A_499 = arith.constant 16 : i32
      %mul3A_500 = arith.muli %select_n3A_498, %mul3A_499 : i32
      %add3A_501 = arith.addi %mul3A_2, %add3A_472 : i32
      %mul3A_502 = arith.constant 16 : i32
      %mul3A_503 = arith.muli %add3A_472, %mul3A_502 : i32
      %dma_start3A_504 = tpu.memref_slice %arg6[%mul3A_503] : memref<4096xf32, #tpu.memory_space<vmem>> -> memref<16xf32, #tpu.memory_space<vmem>>
      %dma_start3A_505 = tpu.memref_slice %arg2[%add3A_501, %mul3A_500] : memref<8192x32000xf32, #tpu.memory_space<hbm>> -> memref<1x16xf32, #tpu.memory_space<hbm>>
      %dma_start3A_506 = tpu.memref_squeeze %dma_start3A_505 : memref<1x16xf32, #tpu.memory_space<hbm>> -> memref<16xf32, #tpu.memory_space<hbm>>
      %dma_start3A_507 = tpu.memref_slice %arg6[%mul3A_503] : memref<4096xf32, #tpu.memory_space<vmem>> -> memref<16xf32, #tpu.memory_space<vmem>>
      %dma_start3A_508 = tpu.memref_slice %arg2[%add3A_501, %mul3A_500] : memref<8192x32000xf32, #tpu.memory_space<hbm>> -> memref<1x16xf32, #tpu.memory_space<hbm>>
      %dma_start3A_509 = tpu.memref_squeeze %dma_start3A_508 : memref<1x16xf32, #tpu.memory_space<hbm>> -> memref<16xf32, #tpu.memory_space<hbm>>
      tpu.enqueue_dma source(%dma_start3A_509 : memref<16xf32, #tpu.memory_space<hbm>>) target(%dma_start3A_507 : memref<16xf32, #tpu.memory_space<vmem>>) target_semaphore(%arg8 : memref<!tpu.dma_semaphore, #tpu.memory_space<semaphore_mem>>)
      %mul3A_510 = arith.constant 16 : i32
      %mul3A_511 = arith.muli %scan3A_24, %mul3A_510 : i32
      %add3A_512 = arith.constant 12 : i32
      %add3A_513 = arith.addi %mul3A_511, %add3A_512 : i32
      %slice3A_514 = vector.extract_strided_slice %get3A_28 {offsets = [12], sizes = [1], strides = [1]} : vector<16xi32> to vector<1xi32>
      %squeeze3A_515 = vector.extract %slice3A_514[0] : i32 from vector<1xi32>
      %jit3A_516 = arith.constant 16 : i32
      %div3A_517 = arith.divsi %squeeze3A_515, %jit3A_516 : i32
      %sign3A_518 = arith.constant 0 : i32
      %sign3A_519 = arith.cmpi sgt, %squeeze3A_515, %sign3A_518 : i32
      %sign3A_520 = arith.extui %sign3A_519 : i1 to i32
      %sign3A_521 = arith.constant 0 : i32
      %sign3A_522 = arith.cmpi slt, %squeeze3A_515, %sign3A_521 : i32
      %sign3A_523 = arith.extui %sign3A_522 : i1 to i32
      %sign3A_524 = arith.subi %sign3A_520, %sign3A_523 : i32
      %sign3A_525 = arith.constant 0 : i32
      %sign3A_526 = arith.cmpi sgt, %jit3A_516, %sign3A_525 : i32
      %sign3A_527 = arith.extui %sign3A_526 : i1 to i32
      %sign3A_528 = arith.constant 0 : i32
      %sign3A_529 = arith.cmpi slt, %jit3A_516, %sign3A_528 : i32
      %sign3A_530 = arith.extui %sign3A_529 : i1 to i32
      %sign3A_531 = arith.subi %sign3A_527, %sign3A_530 : i32
      %ne3A_532 = arith.cmpi ne, %sign3A_524, %sign3A_531 : i32
      %rem3A_533 = arith.remsi %squeeze3A_515, %jit3A_516 : i32
      %ne3A_534 = arith.constant 0 : i32
      %ne3A_535 = arith.cmpi ne, %rem3A_533, %ne3A_534 : i32
      %and3A_536 = arith.andi %ne3A_532, %ne3A_535 : i1
      %sub3A_537 = arith.constant 1 : i32
      %sub3A_538 = arith.subi %div3A_517, %sub3A_537 : i32
      %select_n3A_539 = arith.select %and3A_536, %sub3A_538, %div3A_517 : i32
      %mul3A_540 = arith.constant 16 : i32
      %mul3A_541 = arith.muli %select_n3A_539, %mul3A_540 : i32
      %add3A_542 = arith.addi %mul3A_2, %add3A_513 : i32
      %mul3A_543 = arith.constant 16 : i32
      %mul3A_544 = arith.muli %add3A_513, %mul3A_543 : i32
      %dma_start3A_545 = tpu.memref_slice %arg6[%mul3A_544] : memref<4096xf32, #tpu.memory_space<vmem>> -> memref<16xf32, #tpu.memory_space<vmem>>
      %dma_start3A_546 = tpu.memref_slice %arg2[%add3A_542, %mul3A_541] : memref<8192x32000xf32, #tpu.memory_space<hbm>> -> memref<1x16xf32, #tpu.memory_space<hbm>>
      %dma_start3A_547 = tpu.memref_squeeze %dma_start3A_546 : memref<1x16xf32, #tpu.memory_space<hbm>> -> memref<16xf32, #tpu.memory_space<hbm>>
      %dma_start3A_548 = tpu.memref_slice %arg6[%mul3A_544] : memref<4096xf32, #tpu.memory_space<vmem>> -> memref<16xf32, #tpu.memory_space<vmem>>
      %dma_start3A_549 = tpu.memref_slice %arg2[%add3A_542, %mul3A_541] : memref<8192x32000xf32, #tpu.memory_space<hbm>> -> memref<1x16xf32, #tpu.memory_space<hbm>>
      %dma_start3A_550 = tpu.memref_squeeze %dma_start3A_549 : memref<1x16xf32, #tpu.memory_space<hbm>> -> memref<16xf32, #tpu.memory_space<hbm>>
      tpu.enqueue_dma source(%dma_start3A_550 : memref<16xf32, #tpu.memory_space<hbm>>) target(%dma_start3A_548 : memref<16xf32, #tpu.memory_space<vmem>>) target_semaphore(%arg8 : memref<!tpu.dma_semaphore, #tpu.memory_space<semaphore_mem>>)
      %mul3A_551 = arith.constant 16 : i32
      %mul3A_552 = arith.muli %scan3A_24, %mul3A_551 : i32
      %add3A_553 = arith.constant 13 : i32
      %add3A_554 = arith.addi %mul3A_552, %add3A_553 : i32
      %slice3A_555 = vector.extract_strided_slice %get3A_28 {offsets = [13], sizes = [1], strides = [1]} : vector<16xi32> to vector<1xi32>
      %squeeze3A_556 = vector.extract %slice3A_555[0] : i32 from vector<1xi32>
      %jit3A_557 = arith.constant 16 : i32
      %div3A_558 = arith.divsi %squeeze3A_556, %jit3A_557 : i32
      %sign3A_559 = arith.constant 0 : i32
      %sign3A_560 = arith.cmpi sgt, %squeeze3A_556, %sign3A_559 : i32
      %sign3A_561 = arith.extui %sign3A_560 : i1 to i32
      %sign3A_562 = arith.constant 0 : i32
      %sign3A_563 = arith.cmpi slt, %squeeze3A_556, %sign3A_562 : i32
      %sign3A_564 = arith.extui %sign3A_563 : i1 to i32
      %sign3A_565 = arith.subi %sign3A_561, %sign3A_564 : i32
      %sign3A_566 = arith.constant 0 : i32
      %sign3A_567 = arith.cmpi sgt, %jit3A_557, %sign3A_566 : i32
      %sign3A_568 = arith.extui %sign3A_567 : i1 to i32
      %sign3A_569 = arith.constant 0 : i32
      %sign3A_570 = arith.cmpi slt, %jit3A_557, %sign3A_569 : i32
      %sign3A_571 = arith.extui %sign3A_570 : i1 to i32
      %sign3A_572 = arith.subi %sign3A_568, %sign3A_571 : i32
      %ne3A_573 = arith.cmpi ne, %sign3A_565, %sign3A_572 : i32
      %rem3A_574 = arith.remsi %squeeze3A_556, %jit3A_557 : i32
      %ne3A_575 = arith.constant 0 : i32
      %ne3A_576 = arith.cmpi ne, %rem3A_574, %ne3A_575 : i32
      %and3A_577 = arith.andi %ne3A_573, %ne3A_576 : i1
      %sub3A_578 = arith.constant 1 : i32
      %sub3A_579 = arith.subi %div3A_558, %sub3A_578 : i32
      %select_n3A_580 = arith.select %and3A_577, %sub3A_579, %div3A_558 : i32
      %mul3A_581 = arith.constant 16 : i32
      %mul3A_582 = arith.muli %select_n3A_580, %mul3A_581 : i32
      %add3A_583 = arith.addi %mul3A_2, %add3A_554 : i32
      %mul3A_584 = arith.constant 16 : i32
      %mul3A_585 = arith.muli %add3A_554, %mul3A_584 : i32
      %dma_start3A_586 = tpu.memref_slice %arg6[%mul3A_585] : memref<4096xf32, #tpu.memory_space<vmem>> -> memref<16xf32, #tpu.memory_space<vmem>>
      %dma_start3A_587 = tpu.memref_slice %arg2[%add3A_583, %mul3A_582] : memref<8192x32000xf32, #tpu.memory_space<hbm>> -> memref<1x16xf32, #tpu.memory_space<hbm>>
      %dma_start3A_588 = tpu.memref_squeeze %dma_start3A_587 : memref<1x16xf32, #tpu.memory_space<hbm>> -> memref<16xf32, #tpu.memory_space<hbm>>
      %dma_start3A_589 = tpu.memref_slice %arg6[%mul3A_585] : memref<4096xf32, #tpu.memory_space<vmem>> -> memref<16xf32, #tpu.memory_space<vmem>>
      %dma_start3A_590 = tpu.memref_slice %arg2[%add3A_583, %mul3A_582] : memref<8192x32000xf32, #tpu.memory_space<hbm>> -> memref<1x16xf32, #tpu.memory_space<hbm>>
      %dma_start3A_591 = tpu.memref_squeeze %dma_start3A_590 : memref<1x16xf32, #tpu.memory_space<hbm>> -> memref<16xf32, #tpu.memory_space<hbm>>
      tpu.enqueue_dma source(%dma_start3A_591 : memref<16xf32, #tpu.memory_space<hbm>>) target(%dma_start3A_589 : memref<16xf32, #tpu.memory_space<vmem>>) target_semaphore(%arg8 : memref<!tpu.dma_semaphore, #tpu.memory_space<semaphore_mem>>)
      %mul3A_592 = arith.constant 16 : i32
      %mul3A_593 = arith.muli %scan3A_24, %mul3A_592 : i32
      %add3A_594 = arith.constant 14 : i32
      %add3A_595 = arith.addi %mul3A_593, %add3A_594 : i32
      %slice3A_596 = vector.extract_strided_slice %get3A_28 {offsets = [14], sizes = [1], strides = [1]} : vector<16xi32> to vector<1xi32>
      %squeeze3A_597 = vector.extract %slice3A_596[0] : i32 from vector<1xi32>
      %jit3A_598 = arith.constant 16 : i32
      %div3A_599 = arith.divsi %squeeze3A_597, %jit3A_598 : i32
      %sign3A_600 = arith.constant 0 : i32
      %sign3A_601 = arith.cmpi sgt, %squeeze3A_597, %sign3A_600 : i32
      %sign3A_602 = arith.extui %sign3A_601 : i1 to i32
      %sign3A_603 = arith.constant 0 : i32
      %sign3A_604 = arith.cmpi slt, %squeeze3A_597, %sign3A_603 : i32
      %sign3A_605 = arith.extui %sign3A_604 : i1 to i32
      %sign3A_606 = arith.subi %sign3A_602, %sign3A_605 : i32
      %sign3A_607 = arith.constant 0 : i32
      %sign3A_608 = arith.cmpi sgt, %jit3A_598, %sign3A_607 : i32
      %sign3A_609 = arith.extui %sign3A_608 : i1 to i32
      %sign3A_610 = arith.constant 0 : i32
      %sign3A_611 = arith.cmpi slt, %jit3A_598, %sign3A_610 : i32
      %sign3A_612 = arith.extui %sign3A_611 : i1 to i32
      %sign3A_613 = arith.subi %sign3A_609, %sign3A_612 : i32
      %ne3A_614 = arith.cmpi ne, %sign3A_606, %sign3A_613 : i32
      %rem3A_615 = arith.remsi %squeeze3A_597, %jit3A_598 : i32
      %ne3A_616 = arith.constant 0 : i32
      %ne3A_617 = arith.cmpi ne, %rem3A_615, %ne3A_616 : i32
      %and3A_618 = arith.andi %ne3A_614, %ne3A_617 : i1
      %sub3A_619 = arith.constant 1 : i32
      %sub3A_620 = arith.subi %div3A_599, %sub3A_619 : i32
      %select_n3A_621 = arith.select %and3A_618, %sub3A_620, %div3A_599 : i32
      %mul3A_622 = arith.constant 16 : i32
      %mul3A_623 = arith.muli %select_n3A_621, %mul3A_622 : i32
      %add3A_624 = arith.addi %mul3A_2, %add3A_595 : i32
      %mul3A_625 = arith.constant 16 : i32
      %mul3A_626 = arith.muli %add3A_595, %mul3A_625 : i32
      %dma_start3A_627 = tpu.memref_slice %arg6[%mul3A_626] : memref<4096xf32, #tpu.memory_space<vmem>> -> memref<16xf32, #tpu.memory_space<vmem>>
      %dma_start3A_628 = tpu.memref_slice %arg2[%add3A_624, %mul3A_623] : memref<8192x32000xf32, #tpu.memory_space<hbm>> -> memref<1x16xf32, #tpu.memory_space<hbm>>
      %dma_start3A_629 = tpu.memref_squeeze %dma_start3A_628 : memref<1x16xf32, #tpu.memory_space<hbm>> -> memref<16xf32, #tpu.memory_space<hbm>>
      %dma_start3A_630 = tpu.memref_slice %arg6[%mul3A_626] : memref<4096xf32, #tpu.memory_space<vmem>> -> memref<16xf32, #tpu.memory_space<vmem>>
      %dma_start3A_631 = tpu.memref_slice %arg2[%add3A_624, %mul3A_623] : memref<8192x32000xf32, #tpu.memory_space<hbm>> -> memref<1x16xf32, #tpu.memory_space<hbm>>
      %dma_start3A_632 = tpu.memref_squeeze %dma_start3A_631 : memref<1x16xf32, #tpu.memory_space<hbm>> -> memref<16xf32, #tpu.memory_space<hbm>>
      tpu.enqueue_dma source(%dma_start3A_632 : memref<16xf32, #tpu.memory_space<hbm>>) target(%dma_start3A_630 : memref<16xf32, #tpu.memory_space<vmem>>) target_semaphore(%arg8 : memref<!tpu.dma_semaphore, #tpu.memory_space<semaphore_mem>>)
      %mul3A_633 = arith.constant 16 : i32
      %mul3A_634 = arith.muli %scan3A_24, %mul3A_633 : i32
      %add3A_635 = arith.constant 15 : i32
      %add3A_636 = arith.addi %mul3A_634, %add3A_635 : i32
      %slice3A_637 = vector.extract_strided_slice %get3A_28 {offsets = [15], sizes = [1], strides = [1]} : vector<16xi32> to vector<1xi32>
      %squeeze3A_638 = vector.extract %slice3A_637[0] : i32 from vector<1xi32>
      %jit3A_639 = arith.constant 16 : i32
      %div3A_640 = arith.divsi %squeeze3A_638, %jit3A_639 : i32
      %sign3A_641 = arith.constant 0 : i32
      %sign3A_642 = arith.cmpi sgt, %squeeze3A_638, %sign3A_641 : i32
      %sign3A_643 = arith.extui %sign3A_642 : i1 to i32
      %sign3A_644 = arith.constant 0 : i32
      %sign3A_645 = arith.cmpi slt, %squeeze3A_638, %sign3A_644 : i32
      %sign3A_646 = arith.extui %sign3A_645 : i1 to i32
      %sign3A_647 = arith.subi %sign3A_643, %sign3A_646 : i32
      %sign3A_648 = arith.constant 0 : i32
      %sign3A_649 = arith.cmpi sgt, %jit3A_639, %sign3A_648 : i32
      %sign3A_650 = arith.extui %sign3A_649 : i1 to i32
      %sign3A_651 = arith.constant 0 : i32
      %sign3A_652 = arith.cmpi slt, %jit3A_639, %sign3A_651 : i32
      %sign3A_653 = arith.extui %sign3A_652 : i1 to i32
      %sign3A_654 = arith.subi %sign3A_650, %sign3A_653 : i32
      %ne3A_655 = arith.cmpi ne, %sign3A_647, %sign3A_654 : i32
      %rem3A_656 = arith.remsi %squeeze3A_638, %jit3A_639 : i32
      %ne3A_657 = arith.constant 0 : i32
      %ne3A_658 = arith.cmpi ne, %rem3A_656, %ne3A_657 : i32
      %and3A_659 = arith.andi %ne3A_655, %ne3A_658 : i1
      %sub3A_660 = arith.constant 1 : i32
      %sub3A_661 = arith.subi %div3A_640, %sub3A_660 : i32
      %select_n3A_662 = arith.select %and3A_659, %sub3A_661, %div3A_640 : i32
      %mul3A_663 = arith.constant 16 : i32
      %mul3A_664 = arith.muli %select_n3A_662, %mul3A_663 : i32
      %add3A_665 = arith.addi %mul3A_2, %add3A_636 : i32
      %mul3A_666 = arith.constant 16 : i32
      %mul3A_667 = arith.muli %add3A_636, %mul3A_666 : i32
      %dma_start3A_668 = tpu.memref_slice %arg6[%mul3A_667] : memref<4096xf32, #tpu.memory_space<vmem>> -> memref<16xf32, #tpu.memory_space<vmem>>
      %dma_start3A_669 = tpu.memref_slice %arg2[%add3A_665, %mul3A_664] : memref<8192x32000xf32, #tpu.memory_space<hbm>> -> memref<1x16xf32, #tpu.memory_space<hbm>>
      %dma_start3A_670 = tpu.memref_squeeze %dma_start3A_669 : memref<1x16xf32, #tpu.memory_space<hbm>> -> memref<16xf32, #tpu.memory_space<hbm>>
      %dma_start3A_671 = tpu.memref_slice %arg6[%mul3A_667] : memref<4096xf32, #tpu.memory_space<vmem>> -> memref<16xf32, #tpu.memory_space<vmem>>
      %dma_start3A_672 = tpu.memref_slice %arg2[%add3A_665, %mul3A_664] : memref<8192x32000xf32, #tpu.memory_space<hbm>> -> memref<1x16xf32, #tpu.memory_space<hbm>>
      %dma_start3A_673 = tpu.memref_squeeze %dma_start3A_672 : memref<1x16xf32, #tpu.memory_space<hbm>> -> memref<16xf32, #tpu.memory_space<hbm>>
      tpu.enqueue_dma source(%dma_start3A_673 : memref<16xf32, #tpu.memory_space<hbm>>) target(%dma_start3A_671 : memref<16xf32, #tpu.memory_space<vmem>>) target_semaphore(%arg8 : memref<!tpu.dma_semaphore, #tpu.memory_space<semaphore_mem>>)
    }
    %scan3A_7 = arith.constant 16 : i32
    %dma_wait3A = arith.constant 0 : i32
    %dma_wait3A_8 = arith.constant 0 : i32
    %dma_wait3A_9 = tpu.memref_slice %arg2[%dma_wait3A, %dma_wait3A_8] : memref<8192x32000xf32, #tpu.memory_space<hbm>> -> memref<1x4096xf32, #tpu.memory_space<hbm>>
    %dma_wait3A_10 = tpu.memref_squeeze %dma_wait3A_9 : memref<1x4096xf32, #tpu.memory_space<hbm>> -> memref<4096xf32, #tpu.memory_space<hbm>>
    %dma_wait3A_11 = arith.constant 0 : i32
    %dma_wait3A_12 = tpu.memref_slice %arg2[%dma_wait3A, %dma_wait3A_11] : memref<8192x32000xf32, #tpu.memory_space<hbm>> -> memref<1x4096xf32, #tpu.memory_space<hbm>>
    %dma_wait3A_13 = tpu.memref_squeeze %dma_wait3A_12 : memref<1x4096xf32, #tpu.memory_space<hbm>> -> memref<4096xf32, #tpu.memory_space<hbm>>
    tpu.wait_dma2 semaphore(%arg8 : memref<!tpu.dma_semaphore, #tpu.memory_space<semaphore_mem>>) src(%dma_wait3A_13 : memref<4096xf32, #tpu.memory_space<hbm>>) dst(%arg6 : memref<4096xf32, #tpu.memory_space<vmem>>)
    %broadcast_in_dim3A = arith.constant 0.000000e+00 : f32
    %broadcast_in_dim3A_14 = vector.broadcast %broadcast_in_dim3A : f32 to vector<16xf32>
    %scan3A_15 = arith.constant 0 : i32
    %scan3A_16 = arith.constant 16 : i32
    %scan3A_17 = arith.addi %scan3A_15, %scan3A_16 : i32
    %scan3A_18 = arith.constant 1 : i32
    %scan3A_19 = scf.for %scan3A_24 = %scan3A_15 to %scan3A_17 step %scan3A_18 iter_args(%scan3A_25 = %broadcast_in_dim3A_14) -> (vector<16xf32>)  : i32 {
      %mul3A_26 = arith.constant 16 : i32
      %mul3A_27 = arith.muli %scan3A_24, %mul3A_26 : i32
      %get3A = arith.index_cast %mul3A_27 : i32 to index
      %get3A_28 = tpu.vector_load %arg5[%get3A] {strides = array<i32>} : memref<256xi32, #tpu.memory_space<vmem>>, vector<16xi32>,
      %get3A_29 = vector.shape_cast %get3A_28 : vector<16xi32> to vector<16xi32>
      %mul3A_30 = arith.constant 16 : i32
      %mul3A_31 = arith.muli %scan3A_24, %mul3A_30 : i32
      %add3A_32 = arith.constant 0 : i32
      %add3A_33 = arith.addi %mul3A_31, %add3A_32 : i32
      %slice3A = vector.extract_strided_slice %get3A_29 {offsets = [0], sizes = [1], strides = [1]} : vector<16xi32> to vector<1xi32>
      %squeeze3A = vector.extract %slice3A[0] : i32 from vector<1xi32>
      %jit3A = arith.constant 16 : i32
      %div3A = arith.divsi %squeeze3A, %jit3A : i32
      %sign3A = arith.constant 0 : i32
      %sign3A_34 = arith.cmpi sgt, %squeeze3A, %sign3A : i32
      %sign3A_35 = arith.extui %sign3A_34 : i1 to i32
      %sign3A_36 = arith.constant 0 : i32
      %sign3A_37 = arith.cmpi slt, %squeeze3A, %sign3A_36 : i32
      %sign3A_38 = arith.extui %sign3A_37 : i1 to i32
      %sign3A_39 = arith.subi %sign3A_35, %sign3A_38 : i32
      %sign3A_40 = arith.constant 0 : i32
      %sign3A_41 = arith.cmpi sgt, %jit3A, %sign3A_40 : i32
      %sign3A_42 = arith.extui %sign3A_41 : i1 to i32
      %sign3A_43 = arith.constant 0 : i32
      %sign3A_44 = arith.cmpi slt, %jit3A, %sign3A_43 : i32
      %sign3A_45 = arith.extui %sign3A_44 : i1 to i32
      %sign3A_46 = arith.subi %sign3A_42, %sign3A_45 : i32
      %ne3A = arith.cmpi ne, %sign3A_39, %sign3A_46 : i32
      %rem3A = arith.remsi %squeeze3A, %jit3A : i32
      %ne3A_47 = arith.constant 0 : i32
      %ne3A_48 = arith.cmpi ne, %rem3A, %ne3A_47 : i32
      %and3A = arith.andi %ne3A, %ne3A_48 : i1
      %sub3A = arith.constant 1 : i32
      %sub3A_49 = arith.subi %div3A, %sub3A : i32
      %select_n3A = arith.select %and3A, %sub3A_49, %div3A : i32
      %mul3A_50 = arith.constant 16 : i32
      %mul3A_51 = arith.muli %select_n3A, %mul3A_50 : i32
      %mul3A_52 = arith.constant 16 : i32
      %mul3A_53 = arith.muli %add3A_33, %mul3A_52 : i32
      %get3A_54 = arith.index_cast %mul3A_53 : i32 to index
      %get3A_55 = tpu.vector_load %arg6[%get3A_54] {strides = array<i32>} : memref<4096xf32, #tpu.memory_space<vmem>>, vector<16xf32>,
      %get3A_56 = vector.shape_cast %get3A_55 : vector<16xf32> to vector<16xf32>
      %sub3A_57 = arith.subi %squeeze3A, %mul3A_51 : i32
      %broadcast_in_dim3A_58 = vector.broadcast %sub3A_57 : i32 to vector<16xi32>
      %lt3A = arith.constant 0 : i32
      %lt3A_59 = vector.broadcast %lt3A : i32 to vector<16xi32>
      %lt3A_60 = arith.cmpi slt, %broadcast_in_dim3A_58, %lt3A_59 : vector<16xi32>
      %add3A_61 = arith.constant 16 : i32
      %add3A_62 = vector.broadcast %add3A_61 : i32 to vector<16xi32>
      %add3A_63 = arith.addi %broadcast_in_dim3A_58, %add3A_62 : vector<16xi32>
      %select_n3A_64 = arith.select %lt3A_60, %add3A_63, %broadcast_in_dim3A_58 : vector<16xi1>, vector<16xi32>
      %broadcast_in_dim3A_65 = vector.shape_cast %select_n3A_64 : vector<16xi32> to vector<16x1xi32>
      %gather3A = vector.shape_cast %broadcast_in_dim3A_65 : vector<16x1xi32> to vector<16xi32>
      %gather3A_66 = tpu.dynamic_gather %get3A_56[%gather3A] in [0] : vector<16xf32>, vector<16xi32> -> vector<16xf32>
      %ne3A_67 = arith.constant 0 : i32
      %ne3A_68 = arith.cmpi ne, %squeeze3A, %ne3A_67 : i32
      %jit3A_69 = arith.constant 6.250000e-02 : f32
      %jit3A_70 = arith.constant 0.000000e+00 : f32
      %select_n3A_71 = arith.select %ne3A_68, %jit3A_69, %jit3A_70 : f32
      %mul3A_72 = vector.broadcast %select_n3A_71 : f32 to vector<16xf32>
      %mul3A_73 = arith.mulf %mul3A_72, %gather3A_66 : vector<16xf32>
      %add3A_74 = arith.addf %scan3A_25, %mul3A_73 : vector<16xf32>
      %mul3A_75 = arith.constant 16 : i32
      %mul3A_76 = arith.muli %scan3A_24, %mul3A_75 : i32
      %add3A_77 = arith.constant 1 : i32
      %add3A_78 = arith.addi %mul3A_76, %add3A_77 : i32
      %slice3A_79 = vector.extract_strided_slice %get3A_29 {offsets = [1], sizes = [1], strides = [1]} : vector<16xi32> to vector<1xi32>
      %squeeze3A_80 = vector.extract %slice3A_79[0] : i32 from vector<1xi32>
      %jit3A_81 = arith.constant 16 : i32
      %div3A_82 = arith.divsi %squeeze3A_80, %jit3A_81 : i32
      %sign3A_83 = arith.constant 0 : i32
      %sign3A_84 = arith.cmpi sgt, %squeeze3A_80, %sign3A_83 : i32
      %sign3A_85 = arith.extui %sign3A_84 : i1 to i32
      %sign3A_86 = arith.constant 0 : i32
      %sign3A_87 = arith.cmpi slt, %squeeze3A_80, %sign3A_86 : i32
      %sign3A_88 = arith.extui %sign3A_87 : i1 to i32
      %sign3A_89 = arith.subi %sign3A_85, %sign3A_88 : i32
      %sign3A_90 = arith.constant 0 : i32
      %sign3A_91 = arith.cmpi sgt, %jit3A_81, %sign3A_90 : i32
      %sign3A_92 = arith.extui %sign3A_91 : i1 to i32
      %sign3A_93 = arith.constant 0 : i32
      %sign3A_94 = arith.cmpi slt, %jit3A_81, %sign3A_93 : i32
      %sign3A_95 = arith.extui %sign3A_94 : i1 to i32
      %sign3A_96 = arith.subi %sign3A_92, %sign3A_95 : i32
      %ne3A_97 = arith.cmpi ne, %sign3A_89, %sign3A_96 : i32
      %rem3A_98 = arith.remsi %squeeze3A_80, %jit3A_81 : i32
      %ne3A_99 = arith.constant 0 : i32
      %ne3A_100 = arith.cmpi ne, %rem3A_98, %ne3A_99 : i32
      %and3A_101 = arith.andi %ne3A_97, %ne3A_100 : i1
      %sub3A_102 = arith.constant 1 : i32
      %sub3A_103 = arith.subi %div3A_82, %sub3A_102 : i32
      %select_n3A_104 = arith.select %and3A_101, %sub3A_103, %div3A_82 : i32
      %mul3A_105 = arith.constant 16 : i32
      %mul3A_106 = arith.muli %select_n3A_104, %mul3A_105 : i32
      %mul3A_107 = arith.constant 16 : i32
      %mul3A_108 = arith.muli %add3A_78, %mul3A_107 : i32
      %get3A_109 = arith.index_cast %mul3A_108 : i32 to index
      %get3A_110 = tpu.vector_load %arg6[%get3A_109] {strides = array<i32>} : memref<4096xf32, #tpu.memory_space<vmem>>, vector<16xf32>,
      %get3A_111 = vector.shape_cast %get3A_110 : vector<16xf32> to vector<16xf32>
      %sub3A_112 = arith.subi %squeeze3A_80, %mul3A_106 : i32
      %broadcast_in_dim3A_113 = vector.broadcast %sub3A_112 : i32 to vector<16xi32>
      %lt3A_114 = arith.constant 0 : i32
      %lt3A_115 = vector.broadcast %lt3A_114 : i32 to vector<16xi32>
      %lt3A_116 = arith.cmpi slt, %broadcast_in_dim3A_113, %lt3A_115 : vector<16xi32>
      %add3A_117 = arith.constant 16 : i32
      %add3A_118 = vector.broadcast %add3A_117 : i32 to vector<16xi32>
      %add3A_119 = arith.addi %broadcast_in_dim3A_113, %add3A_118 : vector<16xi32>
      %select_n3A_120 = arith.select %lt3A_116, %add3A_119, %broadcast_in_dim3A_113 : vector<16xi1>, vector<16xi32>
      %broadcast_in_dim3A_121 = vector.shape_cast %select_n3A_120 : vector<16xi32> to vector<16x1xi32>
      %gather3A_122 = vector.shape_cast %broadcast_in_dim3A_121 : vector<16x1xi32> to vector<16xi32>
      %gather3A_123 = tpu.dynamic_gather %get3A_111[%gather3A_122] in [0] : vector<16xf32>, vector<16xi32> -> vector<16xf32>
      %ne3A_124 = arith.constant 0 : i32
      %ne3A_125 = arith.cmpi ne, %squeeze3A_80, %ne3A_124 : i32
      %jit3A_126 = arith.constant 6.250000e-02 : f32
      %jit3A_127 = arith.constant 0.000000e+00 : f32
      %select_n3A_128 = arith.select %ne3A_125, %jit3A_126, %jit3A_127 : f32
      %mul3A_129 = vector.broadcast %select_n3A_128 : f32 to vector<16xf32>
      %mul3A_130 = arith.mulf %mul3A_129, %gather3A_123 : vector<16xf32>
      %add3A_131 = arith.addf %add3A_74, %mul3A_130 : vector<16xf32>
      %mul3A_132 = arith.constant 16 : i32
      %mul3A_133 = arith.muli %scan3A_24, %mul3A_132 : i32
      %add3A_134 = arith.constant 2 : i32
      %add3A_135 = arith.addi %mul3A_133, %add3A_134 : i32
      %slice3A_136 = vector.extract_strided_slice %get3A_29 {offsets = [2], sizes = [1], strides = [1]} : vector<16xi32> to vector<1xi32>
      %squeeze3A_137 = vector.extract %slice3A_136[0] : i32 from vector<1xi32>
      %jit3A_138 = arith.constant 16 : i32
      %div3A_139 = arith.divsi %squeeze3A_137, %jit3A_138 : i32
      %sign3A_140 = arith.constant 0 : i32
      %sign3A_141 = arith.cmpi sgt, %squeeze3A_137, %sign3A_140 : i32
      %sign3A_142 = arith.extui %sign3A_141 : i1 to i32
      %sign3A_143 = arith.constant 0 : i32
      %sign3A_144 = arith.cmpi slt, %squeeze3A_137, %sign3A_143 : i32
      %sign3A_145 = arith.extui %sign3A_144 : i1 to i32
      %sign3A_146 = arith.subi %sign3A_142, %sign3A_145 : i32
      %sign3A_147 = arith.constant 0 : i32
      %sign3A_148 = arith.cmpi sgt, %jit3A_138, %sign3A_147 : i32
      %sign3A_149 = arith.extui %sign3A_148 : i1 to i32
      %sign3A_150 = arith.constant 0 : i32
      %sign3A_151 = arith.cmpi slt, %jit3A_138, %sign3A_150 : i32
      %sign3A_152 = arith.extui %sign3A_151 : i1 to i32
      %sign3A_153 = arith.subi %sign3A_149, %sign3A_152 : i32
      %ne3A_154 = arith.cmpi ne, %sign3A_146, %sign3A_153 : i32
      %rem3A_155 = arith.remsi %squeeze3A_137, %jit3A_138 : i32
      %ne3A_156 = arith.constant 0 : i32
      %ne3A_157 = arith.cmpi ne, %rem3A_155, %ne3A_156 : i32
      %and3A_158 = arith.andi %ne3A_154, %ne3A_157 : i1
      %sub3A_159 = arith.constant 1 : i32
      %sub3A_160 = arith.subi %div3A_139, %sub3A_159 : i32
      %select_n3A_161 = arith.select %and3A_158, %sub3A_160, %div3A_139 : i32
      %mul3A_162 = arith.constant 16 : i32
      %mul3A_163 = arith.muli %select_n3A_161, %mul3A_162 : i32
      %mul3A_164 = arith.constant 16 : i32
      %mul3A_165 = arith.muli %add3A_135, %mul3A_164 : i32
      %get3A_166 = arith.index_cast %mul3A_165 : i32 to index
      %get3A_167 = tpu.vector_load %arg6[%get3A_166] {strides = array<i32>} : memref<4096xf32, #tpu.memory_space<vmem>>, vector<16xf32>,
      %get3A_168 = vector.shape_cast %get3A_167 : vector<16xf32> to vector<16xf32>
      %sub3A_169 = arith.subi %squeeze3A_137, %mul3A_163 : i32
      %broadcast_in_dim3A_170 = vector.broadcast %sub3A_169 : i32 to vector<16xi32>
      %lt3A_171 = arith.constant 0 : i32
      %lt3A_172 = vector.broadcast %lt3A_171 : i32 to vector<16xi32>
      %lt3A_173 = arith.cmpi slt, %broadcast_in_dim3A_170, %lt3A_172 : vector<16xi32>
      %add3A_174 = arith.constant 16 : i32
      %add3A_175 = vector.broadcast %add3A_174 : i32 to vector<16xi32>
      %add3A_176 = arith.addi %broadcast_in_dim3A_170, %add3A_175 : vector<16xi32>
      %select_n3A_177 = arith.select %lt3A_173, %add3A_176, %broadcast_in_dim3A_170 : vector<16xi1>, vector<16xi32>
      %broadcast_in_dim3A_178 = vector.shape_cast %select_n3A_177 : vector<16xi32> to vector<16x1xi32>
      %gather3A_179 = vector.shape_cast %broadcast_in_dim3A_178 : vector<16x1xi32> to vector<16xi32>
      %gather3A_180 = tpu.dynamic_gather %get3A_168[%gather3A_179] in [0] : vector<16xf32>, vector<16xi32> -> vector<16xf32>
      %ne3A_181 = arith.constant 0 : i32
      %ne3A_182 = arith.cmpi ne, %squeeze3A_137, %ne3A_181 : i32
      %jit3A_183 = arith.constant 6.250000e-02 : f32
      %jit3A_184 = arith.constant 0.000000e+00 : f32
      %select_n3A_185 = arith.select %ne3A_182, %jit3A_183, %jit3A_184 : f32
      %mul3A_186 = vector.broadcast %select_n3A_185 : f32 to vector<16xf32>
      %mul3A_187 = arith.mulf %mul3A_186, %gather3A_180 : vector<16xf32>
      %add3A_188 = arith.addf %add3A_131, %mul3A_187 : vector<16xf32>
      %mul3A_189 = arith.constant 16 : i32
      %mul3A_190 = arith.muli %scan3A_24, %mul3A_189 : i32
      %add3A_191 = arith.constant 3 : i32
      %add3A_192 = arith.addi %mul3A_190, %add3A_191 : i32
      %slice3A_193 = vector.extract_strided_slice %get3A_29 {offsets = [3], sizes = [1], strides = [1]} : vector<16xi32> to vector<1xi32>
      %squeeze3A_194 = vector.extract %slice3A_193[0] : i32 from vector<1xi32>
      %jit3A_195 = arith.constant 16 : i32
      %div3A_196 = arith.divsi %squeeze3A_194, %jit3A_195 : i32
      %sign3A_197 = arith.constant 0 : i32
      %sign3A_198 = arith.cmpi sgt, %squeeze3A_194, %sign3A_197 : i32
      %sign3A_199 = arith.extui %sign3A_198 : i1 to i32
      %sign3A_200 = arith.constant 0 : i32
      %sign3A_201 = arith.cmpi slt, %squeeze3A_194, %sign3A_200 : i32
      %sign3A_202 = arith.extui %sign3A_201 : i1 to i32
      %sign3A_203 = arith.subi %sign3A_199, %sign3A_202 : i32
      %sign3A_204 = arith.constant 0 : i32
      %sign3A_205 = arith.cmpi sgt, %jit3A_195, %sign3A_204 : i32
      %sign3A_206 = arith.extui %sign3A_205 : i1 to i32
      %sign3A_207 = arith.constant 0 : i32
      %sign3A_208 = arith.cmpi slt, %jit3A_195, %sign3A_207 : i32
      %sign3A_209 = arith.extui %sign3A_208 : i1 to i32
      %sign3A_210 = arith.subi %sign3A_206, %sign3A_209 : i32
      %ne3A_211 = arith.cmpi ne, %sign3A_203, %sign3A_210 : i32
      %rem3A_212 = arith.remsi %squeeze3A_194, %jit3A_195 : i32
      %ne3A_213 = arith.constant 0 : i32
      %ne3A_214 = arith.cmpi ne, %rem3A_212, %ne3A_213 : i32
      %and3A_215 = arith.andi %ne3A_211, %ne3A_214 : i1
      %sub3A_216 = arith.constant 1 : i32
      %sub3A_217 = arith.subi %div3A_196, %sub3A_216 : i32
      %select_n3A_218 = arith.select %and3A_215, %sub3A_217, %div3A_196 : i32
      %mul3A_219 = arith.constant 16 : i32
      %mul3A_220 = arith.muli %select_n3A_218, %mul3A_219 : i32
      %mul3A_221 = arith.constant 16 : i32
      %mul3A_222 = arith.muli %add3A_192, %mul3A_221 : i32
      %get3A_223 = arith.index_cast %mul3A_222 : i32 to index
      %get3A_224 = tpu.vector_load %arg6[%get3A_223] {strides = array<i32>} : memref<4096xf32, #tpu.memory_space<vmem>>, vector<16xf32>,
      %get3A_225 = vector.shape_cast %get3A_224 : vector<16xf32> to vector<16xf32>
      %sub3A_226 = arith.subi %squeeze3A_194, %mul3A_220 : i32
      %broadcast_in_dim3A_227 = vector.broadcast %sub3A_226 : i32 to vector<16xi32>
      %lt3A_228 = arith.constant 0 : i32
      %lt3A_229 = vector.broadcast %lt3A_228 : i32 to vector<16xi32>
      %lt3A_230 = arith.cmpi slt, %broadcast_in_dim3A_227, %lt3A_229 : vector<16xi32>
      %add3A_231 = arith.constant 16 : i32
      %add3A_232 = vector.broadcast %add3A_231 : i32 to vector<16xi32>
      %add3A_233 = arith.addi %broadcast_in_dim3A_227, %add3A_232 : vector<16xi32>
      %select_n3A_234 = arith.select %lt3A_230, %add3A_233, %broadcast_in_dim3A_227 : vector<16xi1>, vector<16xi32>
      %broadcast_in_dim3A_235 = vector.shape_cast %select_n3A_234 : vector<16xi32> to vector<16x1xi32>
      %gather3A_236 = vector.shape_cast %broadcast_in_dim3A_235 : vector<16x1xi32> to vector<16xi32>
      %gather3A_237 = tpu.dynamic_gather %get3A_225[%gather3A_236] in [0] : vector<16xf32>, vector<16xi32> -> vector<16xf32>
      %ne3A_238 = arith.constant 0 : i32
      %ne3A_239 = arith.cmpi ne, %squeeze3A_194, %ne3A_238 : i32
      %jit3A_240 = arith.constant 6.250000e-02 : f32
      %jit3A_241 = arith.constant 0.000000e+00 : f32
      %select_n3A_242 = arith.select %ne3A_239, %jit3A_240, %jit3A_241 : f32
      %mul3A_243 = vector.broadcast %select_n3A_242 : f32 to vector<16xf32>
      %mul3A_244 = arith.mulf %mul3A_243, %gather3A_237 : vector<16xf32>
      %add3A_245 = arith.addf %add3A_188, %mul3A_244 : vector<16xf32>
      %mul3A_246 = arith.constant 16 : i32
      %mul3A_247 = arith.muli %scan3A_24, %mul3A_246 : i32
      %add3A_248 = arith.constant 4 : i32
      %add3A_249 = arith.addi %mul3A_247, %add3A_248 : i32
      %slice3A_250 = vector.extract_strided_slice %get3A_29 {offsets = [4], sizes = [1], strides = [1]} : vector<16xi32> to vector<1xi32>
      %squeeze3A_251 = vector.extract %slice3A_250[0] : i32 from vector<1xi32>
      %jit3A_252 = arith.constant 16 : i32
      %div3A_253 = arith.divsi %squeeze3A_251, %jit3A_252 : i32
      %sign3A_254 = arith.constant 0 : i32
      %sign3A_255 = arith.cmpi sgt, %squeeze3A_251, %sign3A_254 : i32
      %sign3A_256 = arith.extui %sign3A_255 : i1 to i32
      %sign3A_257 = arith.constant 0 : i32
      %sign3A_258 = arith.cmpi slt, %squeeze3A_251, %sign3A_257 : i32
      %sign3A_259 = arith.extui %sign3A_258 : i1 to i32
      %sign3A_260 = arith.subi %sign3A_256, %sign3A_259 : i32
      %sign3A_261 = arith.constant 0 : i32
      %sign3A_262 = arith.cmpi sgt, %jit3A_252, %sign3A_261 : i32
      %sign3A_263 = arith.extui %sign3A_262 : i1 to i32
      %sign3A_264 = arith.constant 0 : i32
      %sign3A_265 = arith.cmpi slt, %jit3A_252, %sign3A_264 : i32
      %sign3A_266 = arith.extui %sign3A_265 : i1 to i32
      %sign3A_267 = arith.subi %sign3A_263, %sign3A_266 : i32
      %ne3A_268 = arith.cmpi ne, %sign3A_260, %sign3A_267 : i32
      %rem3A_269 = arith.remsi %squeeze3A_251, %jit3A_252 : i32
      %ne3A_270 = arith.constant 0 : i32
      %ne3A_271 = arith.cmpi ne, %rem3A_269, %ne3A_270 : i32
      %and3A_272 = arith.andi %ne3A_268, %ne3A_271 : i1
      %sub3A_273 = arith.constant 1 : i32
      %sub3A_274 = arith.subi %div3A_253, %sub3A_273 : i32
      %select_n3A_275 = arith.select %and3A_272, %sub3A_274, %div3A_253 : i32
      %mul3A_276 = arith.constant 16 : i32
      %mul3A_277 = arith.muli %select_n3A_275, %mul3A_276 : i32
      %mul3A_278 = arith.constant 16 : i32
      %mul3A_279 = arith.muli %add3A_249, %mul3A_278 : i32
      %get3A_280 = arith.index_cast %mul3A_279 : i32 to index
      %get3A_281 = tpu.vector_load %arg6[%get3A_280] {strides = array<i32>} : memref<4096xf32, #tpu.memory_space<vmem>>, vector<16xf32>,
      %get3A_282 = vector.shape_cast %get3A_281 : vector<16xf32> to vector<16xf32>
      %sub3A_283 = arith.subi %squeeze3A_251, %mul3A_277 : i32
      %broadcast_in_dim3A_284 = vector.broadcast %sub3A_283 : i32 to vector<16xi32>
      %lt3A_285 = arith.constant 0 : i32
      %lt3A_286 = vector.broadcast %lt3A_285 : i32 to vector<16xi32>
      %lt3A_287 = arith.cmpi slt, %broadcast_in_dim3A_284, %lt3A_286 : vector<16xi32>
      %add3A_288 = arith.constant 16 : i32
      %add3A_289 = vector.broadcast %add3A_288 : i32 to vector<16xi32>
      %add3A_290 = arith.addi %broadcast_in_dim3A_284, %add3A_289 : vector<16xi32>
      %select_n3A_291 = arith.select %lt3A_287, %add3A_290, %broadcast_in_dim3A_284 : vector<16xi1>, vector<16xi32>
      %broadcast_in_dim3A_292 = vector.shape_cast %select_n3A_291 : vector<16xi32> to vector<16x1xi32>
      %gather3A_293 = vector.shape_cast %broadcast_in_dim3A_292 : vector<16x1xi32> to vector<16xi32>
      %gather3A_294 = tpu.dynamic_gather %get3A_282[%gather3A_293] in [0] : vector<16xf32>, vector<16xi32> -> vector<16xf32>
      %ne3A_295 = arith.constant 0 : i32
      %ne3A_296 = arith.cmpi ne, %squeeze3A_251, %ne3A_295 : i32
      %jit3A_297 = arith.constant 6.250000e-02 : f32
      %jit3A_298 = arith.constant 0.000000e+00 : f32
      %select_n3A_299 = arith.select %ne3A_296, %jit3A_297, %jit3A_298 : f32
      %mul3A_300 = vector.broadcast %select_n3A_299 : f32 to vector<16xf32>
      %mul3A_301 = arith.mulf %mul3A_300, %gather3A_294 : vector<16xf32>
      %add3A_302 = arith.addf %add3A_245, %mul3A_301 : vector<16xf32>
      %mul3A_303 = arith.constant 16 : i32
      %mul3A_304 = arith.muli %scan3A_24, %mul3A_303 : i32
      %add3A_305 = arith.constant 5 : i32
      %add3A_306 = arith.addi %mul3A_304, %add3A_305 : i32
      %slice3A_307 = vector.extract_strided_slice %get3A_29 {offsets = [5], sizes = [1], strides = [1]} : vector<16xi32> to vector<1xi32>
      %squeeze3A_308 = vector.extract %slice3A_307[0] : i32 from vector<1xi32>
      %jit3A_309 = arith.constant 16 : i32
      %div3A_310 = arith.divsi %squeeze3A_308, %jit3A_309 : i32
      %sign3A_311 = arith.constant 0 : i32
      %sign3A_312 = arith.cmpi sgt, %squeeze3A_308, %sign3A_311 : i32
      %sign3A_313 = arith.extui %sign3A_312 : i1 to i32
      %sign3A_314 = arith.constant 0 : i32
      %sign3A_315 = arith.cmpi slt, %squeeze3A_308, %sign3A_314 : i32
      %sign3A_316 = arith.extui %sign3A_315 : i1 to i32
      %sign3A_317 = arith.subi %sign3A_313, %sign3A_316 : i32
      %sign3A_318 = arith.constant 0 : i32
      %sign3A_319 = arith.cmpi sgt, %jit3A_309, %sign3A_318 : i32
      %sign3A_320 = arith.extui %sign3A_319 : i1 to i32
      %sign3A_321 = arith.constant 0 : i32
      %sign3A_322 = arith.cmpi slt, %jit3A_309, %sign3A_321 : i32
      %sign3A_323 = arith.extui %sign3A_322 : i1 to i32
      %sign3A_324 = arith.subi %sign3A_320, %sign3A_323 : i32
      %ne3A_325 = arith.cmpi ne, %sign3A_317, %sign3A_324 : i32
      %rem3A_326 = arith.remsi %squeeze3A_308, %jit3A_309 : i32
      %ne3A_327 = arith.constant 0 : i32
      %ne3A_328 = arith.cmpi ne, %rem3A_326, %ne3A_327 : i32
      %and3A_329 = arith.andi %ne3A_325, %ne3A_328 : i1
      %sub3A_330 = arith.constant 1 : i32
      %sub3A_331 = arith.subi %div3A_310, %sub3A_330 : i32
      %select_n3A_332 = arith.select %and3A_329, %sub3A_331, %div3A_310 : i32
      %mul3A_333 = arith.constant 16 : i32
      %mul3A_334 = arith.muli %select_n3A_332, %mul3A_333 : i32
      %mul3A_335 = arith.constant 16 : i32
      %mul3A_336 = arith.muli %add3A_306, %mul3A_335 : i32
      %get3A_337 = arith.index_cast %mul3A_336 : i32 to index
      %get3A_338 = tpu.vector_load %arg6[%get3A_337] {strides = array<i32>} : memref<4096xf32, #tpu.memory_space<vmem>>, vector<16xf32>,
      %get3A_339 = vector.shape_cast %get3A_338 : vector<16xf32> to vector<16xf32>
      %sub3A_340 = arith.subi %squeeze3A_308, %mul3A_334 : i32
      %broadcast_in_dim3A_341 = vector.broadcast %sub3A_340 : i32 to vector<16xi32>
      %lt3A_342 = arith.constant 0 : i32
      %lt3A_343 = vector.broadcast %lt3A_342 : i32 to vector<16xi32>
      %lt3A_344 = arith.cmpi slt, %broadcast_in_dim3A_341, %lt3A_343 : vector<16xi32>
      %add3A_345 = arith.constant 16 : i32
      %add3A_346 = vector.broadcast %add3A_345 : i32 to vector<16xi32>
      %add3A_347 = arith.addi %broadcast_in_dim3A_341, %add3A_346 : vector<16xi32>
      %select_n3A_348 = arith.select %lt3A_344, %add3A_347, %broadcast_in_dim3A_341 : vector<16xi1>, vector<16xi32>
      %broadcast_in_dim3A_349 = vector.shape_cast %select_n3A_348 : vector<16xi32> to vector<16x1xi32>
      %gather3A_350 = vector.shape_cast %broadcast_in_dim3A_349 : vector<16x1xi32> to vector<16xi32>
      %gather3A_351 = tpu.dynamic_gather %get3A_339[%gather3A_350] in [0] : vector<16xf32>, vector<16xi32> -> vector<16xf32>
      %ne3A_352 = arith.constant 0 : i32
      %ne3A_353 = arith.cmpi ne, %squeeze3A_308, %ne3A_352 : i32
      %jit3A_354 = arith.constant 6.250000e-02 : f32
      %jit3A_355 = arith.constant 0.000000e+00 : f32
      %select_n3A_356 = arith.select %ne3A_353, %jit3A_354, %jit3A_355 : f32
      %mul3A_357 = vector.broadcast %select_n3A_356 : f32 to vector<16xf32>
      %mul3A_358 = arith.mulf %mul3A_357, %gather3A_351 : vector<16xf32>
      %add3A_359 = arith.addf %add3A_302, %mul3A_358 : vector<16xf32>
      %mul3A_360 = arith.constant 16 : i32
      %mul3A_361 = arith.muli %scan3A_24, %mul3A_360 : i32
      %add3A_362 = arith.constant 6 : i32
      %add3A_363 = arith.addi %mul3A_361, %add3A_362 : i32
      %slice3A_364 = vector.extract_strided_slice %get3A_29 {offsets = [6], sizes = [1], strides = [1]} : vector<16xi32> to vector<1xi32>
      %squeeze3A_365 = vector.extract %slice3A_364[0] : i32 from vector<1xi32>
      %jit3A_366 = arith.constant 16 : i32
      %div3A_367 = arith.divsi %squeeze3A_365, %jit3A_366 : i32
      %sign3A_368 = arith.constant 0 : i32
      %sign3A_369 = arith.cmpi sgt, %squeeze3A_365, %sign3A_368 : i32
      %sign3A_370 = arith.extui %sign3A_369 : i1 to i32
      %sign3A_371 = arith.constant 0 : i32
      %sign3A_372 = arith.cmpi slt, %squeeze3A_365, %sign3A_371 : i32
      %sign3A_373 = arith.extui %sign3A_372 : i1 to i32
      %sign3A_374 = arith.subi %sign3A_370, %sign3A_373 : i32
      %sign3A_375 = arith.constant 0 : i32
      %sign3A_376 = arith.cmpi sgt, %jit3A_366, %sign3A_375 : i32
      %sign3A_377 = arith.extui %sign3A_376 : i1 to i32
      %sign3A_378 = arith.constant 0 : i32
      %sign3A_379 = arith.cmpi slt, %jit3A_366, %sign3A_378 : i32
      %sign3A_380 = arith.extui %sign3A_379 : i1 to i32
      %sign3A_381 = arith.subi %sign3A_377, %sign3A_380 : i32
      %ne3A_382 = arith.cmpi ne, %sign3A_374, %sign3A_381 : i32
      %rem3A_383 = arith.remsi %squeeze3A_365, %jit3A_366 : i32
      %ne3A_384 = arith.constant 0 : i32
      %ne3A_385 = arith.cmpi ne, %rem3A_383, %ne3A_384 : i32
      %and3A_386 = arith.andi %ne3A_382, %ne3A_385 : i1
      %sub3A_387 = arith.constant 1 : i32
      %sub3A_388 = arith.subi %div3A_367, %sub3A_387 : i32
      %select_n3A_389 = arith.select %and3A_386, %sub3A_388, %div3A_367 : i32
      %mul3A_390 = arith.constant 16 : i32
      %mul3A_391 = arith.muli %select_n3A_389, %mul3A_390 : i32
      %mul3A_392 = arith.constant 16 : i32
      %mul3A_393 = arith.muli %add3A_363, %mul3A_392 : i32
      %get3A_394 = arith.index_cast %mul3A_393 : i32 to index
      %get3A_395 = tpu.vector_load %arg6[%get3A_394] {strides = array<i32>} : memref<4096xf32, #tpu.memory_space<vmem>>, vector<16xf32>,
      %get3A_396 = vector.shape_cast %get3A_395 : vector<16xf32> to vector<16xf32>
      %sub3A_397 = arith.subi %squeeze3A_365, %mul3A_391 : i32
      %broadcast_in_dim3A_398 = vector.broadcast %sub3A_397 : i32 to vector<16xi32>
      %lt3A_399 = arith.constant 0 : i32
      %lt3A_400 = vector.broadcast %lt3A_399 : i32 to vector<16xi32>
      %lt3A_401 = arith.cmpi slt, %broadcast_in_dim3A_398, %lt3A_400 : vector<16xi32>
      %add3A_402 = arith.constant 16 : i32
      %add3A_403 = vector.broadcast %add3A_402 : i32 to vector<16xi32>
      %add3A_404 = arith.addi %broadcast_in_dim3A_398, %add3A_403 : vector<16xi32>
      %select_n3A_405 = arith.select %lt3A_401, %add3A_404, %broadcast_in_dim3A_398 : vector<16xi1>, vector<16xi32>
      %broadcast_in_dim3A_406 = vector.shape_cast %select_n3A_405 : vector<16xi32> to vector<16x1xi32>
      %gather3A_407 = vector.shape_cast %broadcast_in_dim3A_406 : vector<16x1xi32> to vector<16xi32>
      %gather3A_408 = tpu.dynamic_gather %get3A_396[%gather3A_407] in [0] : vector<16xf32>, vector<16xi32> -> vector<16xf32>
      %ne3A_409 = arith.constant 0 : i32
      %ne3A_410 = arith.cmpi ne, %squeeze3A_365, %ne3A_409 : i32
      %jit3A_411 = arith.constant 6.250000e-02 : f32
      %jit3A_412 = arith.constant 0.000000e+00 : f32
      %select_n3A_413 = arith.select %ne3A_410, %jit3A_411, %jit3A_412 : f32
      %mul3A_414 = vector.broadcast %select_n3A_413 : f32 to vector<16xf32>
      %mul3A_415 = arith.mulf %mul3A_414, %gather3A_408 : vector<16xf32>
      %add3A_416 = arith.addf %add3A_359, %mul3A_415 : vector<16xf32>
      %mul3A_417 = arith.constant 16 : i32
      %mul3A_418 = arith.muli %scan3A_24, %mul3A_417 : i32
      %add3A_419 = arith.constant 7 : i32
      %add3A_420 = arith.addi %mul3A_418, %add3A_419 : i32
      %slice3A_421 = vector.extract_strided_slice %get3A_29 {offsets = [7], sizes = [1], strides = [1]} : vector<16xi32> to vector<1xi32>
      %squeeze3A_422 = vector.extract %slice3A_421[0] : i32 from vector<1xi32>
      %jit3A_423 = arith.constant 16 : i32
      %div3A_424 = arith.divsi %squeeze3A_422, %jit3A_423 : i32
      %sign3A_425 = arith.constant 0 : i32
      %sign3A_426 = arith.cmpi sgt, %squeeze3A_422, %sign3A_425 : i32
      %sign3A_427 = arith.extui %sign3A_426 : i1 to i32
      %sign3A_428 = arith.constant 0 : i32
      %sign3A_429 = arith.cmpi slt, %squeeze3A_422, %sign3A_428 : i32
      %sign3A_430 = arith.extui %sign3A_429 : i1 to i32
      %sign3A_431 = arith.subi %sign3A_427, %sign3A_430 : i32
      %sign3A_432 = arith.constant 0 : i32
      %sign3A_433 = arith.cmpi sgt, %jit3A_423, %sign3A_432 : i32
      %sign3A_434 = arith.extui %sign3A_433 : i1 to i32
      %sign3A_435 = arith.constant 0 : i32
      %sign3A_436 = arith.cmpi slt, %jit3A_423, %sign3A_435 : i32
      %sign3A_437 = arith.extui %sign3A_436 : i1 to i32
      %sign3A_438 = arith.subi %sign3A_434, %sign3A_437 : i32
      %ne3A_439 = arith.cmpi ne, %sign3A_431, %sign3A_438 : i32
      %rem3A_440 = arith.remsi %squeeze3A_422, %jit3A_423 : i32
      %ne3A_441 = arith.constant 0 : i32
      %ne3A_442 = arith.cmpi ne, %rem3A_440, %ne3A_441 : i32
      %and3A_443 = arith.andi %ne3A_439, %ne3A_442 : i1
      %sub3A_444 = arith.constant 1 : i32
      %sub3A_445 = arith.subi %div3A_424, %sub3A_444 : i32
      %select_n3A_446 = arith.select %and3A_443, %sub3A_445, %div3A_424 : i32
      %mul3A_447 = arith.constant 16 : i32
      %mul3A_448 = arith.muli %select_n3A_446, %mul3A_447 : i32
      %mul3A_449 = arith.constant 16 : i32
      %mul3A_450 = arith.muli %add3A_420, %mul3A_449 : i32
      %get3A_451 = arith.index_cast %mul3A_450 : i32 to index
      %get3A_452 = tpu.vector_load %arg6[%get3A_451] {strides = array<i32>} : memref<4096xf32, #tpu.memory_space<vmem>>, vector<16xf32>,
      %get3A_453 = vector.shape_cast %get3A_452 : vector<16xf32> to vector<16xf32>
      %sub3A_454 = arith.subi %squeeze3A_422, %mul3A_448 : i32
      %broadcast_in_dim3A_455 = vector.broadcast %sub3A_454 : i32 to vector<16xi32>
      %lt3A_456 = arith.constant 0 : i32
      %lt3A_457 = vector.broadcast %lt3A_456 : i32 to vector<16xi32>
      %lt3A_458 = arith.cmpi slt, %broadcast_in_dim3A_455, %lt3A_457 : vector<16xi32>
      %add3A_459 = arith.constant 16 : i32
      %add3A_460 = vector.broadcast %add3A_459 : i32 to vector<16xi32>
      %add3A_461 = arith.addi %broadcast_in_dim3A_455, %add3A_460 : vector<16xi32>
      %select_n3A_462 = arith.select %lt3A_458, %add3A_461, %broadcast_in_dim3A_455 : vector<16xi1>, vector<16xi32>
      %broadcast_in_dim3A_463 = vector.shape_cast %select_n3A_462 : vector<16xi32> to vector<16x1xi32>
      %gather3A_464 = vector.shape_cast %broadcast_in_dim3A_463 : vector<16x1xi32> to vector<16xi32>
      %gather3A_465 = tpu.dynamic_gather %get3A_453[%gather3A_464] in [0] : vector<16xf32>, vector<16xi32> -> vector<16xf32>
      %ne3A_466 = arith.constant 0 : i32
      %ne3A_467 = arith.cmpi ne, %squeeze3A_422, %ne3A_466 : i32
      %jit3A_468 = arith.constant 6.250000e-02 : f32
      %jit3A_469 = arith.constant 0.000000e+00 : f32
      %select_n3A_470 = arith.select %ne3A_467, %jit3A_468, %jit3A_469 : f32
      %mul3A_471 = vector.broadcast %select_n3A_470 : f32 to vector<16xf32>
      %mul3A_472 = arith.mulf %mul3A_471, %gather3A_465 : vector<16xf32>
      %add3A_473 = arith.addf %add3A_416, %mul3A_472 : vector<16xf32>
      %mul3A_474 = arith.constant 16 : i32
      %mul3A_475 = arith.muli %scan3A_24, %mul3A_474 : i32
      %add3A_476 = arith.constant 8 : i32
      %add3A_477 = arith.addi %mul3A_475, %add3A_476 : i32
      %slice3A_478 = vector.extract_strided_slice %get3A_29 {offsets = [8], sizes = [1], strides = [1]} : vector<16xi32> to vector<1xi32>
      %squeeze3A_479 = vector.extract %slice3A_478[0] : i32 from vector<1xi32>
      %jit3A_480 = arith.constant 16 : i32
      %div3A_481 = arith.divsi %squeeze3A_479, %jit3A_480 : i32
      %sign3A_482 = arith.constant 0 : i32
      %sign3A_483 = arith.cmpi sgt, %squeeze3A_479, %sign3A_482 : i32
      %sign3A_484 = arith.extui %sign3A_483 : i1 to i32
      %sign3A_485 = arith.constant 0 : i32
      %sign3A_486 = arith.cmpi slt, %squeeze3A_479, %sign3A_485 : i32
      %sign3A_487 = arith.extui %sign3A_486 : i1 to i32
      %sign3A_488 = arith.subi %sign3A_484, %sign3A_487 : i32
      %sign3A_489 = arith.constant 0 : i32
      %sign3A_490 = arith.cmpi sgt, %jit3A_480, %sign3A_489 : i32
      %sign3A_491 = arith.extui %sign3A_490 : i1 to i32
      %sign3A_492 = arith.constant 0 : i32
      %sign3A_493 = arith.cmpi slt, %jit3A_480, %sign3A_492 : i32
      %sign3A_494 = arith.extui %sign3A_493 : i1 to i32
      %sign3A_495 = arith.subi %sign3A_491, %sign3A_494 : i32
      %ne3A_496 = arith.cmpi ne, %sign3A_488, %sign3A_495 : i32
      %rem3A_497 = arith.remsi %squeeze3A_479, %jit3A_480 : i32
      %ne3A_498 = arith.constant 0 : i32
      %ne3A_499 = arith.cmpi ne, %rem3A_497, %ne3A_498 : i32
      %and3A_500 = arith.andi %ne3A_496, %ne3A_499 : i1
      %sub3A_501 = arith.constant 1 : i32
      %sub3A_502 = arith.subi %div3A_481, %sub3A_501 : i32
      %select_n3A_503 = arith.select %and3A_500, %sub3A_502, %div3A_481 : i32
      %mul3A_504 = arith.constant 16 : i32
      %mul3A_505 = arith.muli %select_n3A_503, %mul3A_504 : i32
      %mul3A_506 = arith.constant 16 : i32
      %mul3A_507 = arith.muli %add3A_477, %mul3A_506 : i32
      %get3A_508 = arith.index_cast %mul3A_507 : i32 to index
      %get3A_509 = tpu.vector_load %arg6[%get3A_508] {strides = array<i32>} : memref<4096xf32, #tpu.memory_space<vmem>>, vector<16xf32>,
      %get3A_510 = vector.shape_cast %get3A_509 : vector<16xf32> to vector<16xf32>
      %sub3A_511 = arith.subi %squeeze3A_479, %mul3A_505 : i32
      %broadcast_in_dim3A_512 = vector.broadcast %sub3A_511 : i32 to vector<16xi32>
      %lt3A_513 = arith.constant 0 : i32
      %lt3A_514 = vector.broadcast %lt3A_513 : i32 to vector<16xi32>
      %lt3A_515 = arith.cmpi slt, %broadcast_in_dim3A_512, %lt3A_514 : vector<16xi32>
      %add3A_516 = arith.constant 16 : i32
      %add3A_517 = vector.broadcast %add3A_516 : i32 to vector<16xi32>
      %add3A_518 = arith.addi %broadcast_in_dim3A_512, %add3A_517 : vector<16xi32>
      %select_n3A_519 = arith.select %lt3A_515, %add3A_518, %broadcast_in_dim3A_512 : vector<16xi1>, vector<16xi32>
      %broadcast_in_dim3A_520 = vector.shape_cast %select_n3A_519 : vector<16xi32> to vector<16x1xi32>
      %gather3A_521 = vector.shape_cast %broadcast_in_dim3A_520 : vector<16x1xi32> to vector<16xi32>
      %gather3A_522 = tpu.dynamic_gather %get3A_510[%gather3A_521] in [0] : vector<16xf32>, vector<16xi32> -> vector<16xf32>
      %ne3A_523 = arith.constant 0 : i32
      %ne3A_524 = arith.cmpi ne, %squeeze3A_479, %ne3A_523 : i32
      %jit3A_525 = arith.constant 6.250000e-02 : f32
      %jit3A_526 = arith.constant 0.000000e+00 : f32
      %select_n3A_527 = arith.select %ne3A_524, %jit3A_525, %jit3A_526 : f32
      %mul3A_528 = vector.broadcast %select_n3A_527 : f32 to vector<16xf32>
      %mul3A_529 = arith.mulf %mul3A_528, %gather3A_522 : vector<16xf32>
      %add3A_530 = arith.addf %add3A_473, %mul3A_529 : vector<16xf32>
      %mul3A_531 = arith.constant 16 : i32
      %mul3A_532 = arith.muli %scan3A_24, %mul3A_531 : i32
      %add3A_533 = arith.constant 9 : i32
      %add3A_534 = arith.addi %mul3A_532, %add3A_533 : i32
      %slice3A_535 = vector.extract_strided_slice %get3A_29 {offsets = [9], sizes = [1], strides = [1]} : vector<16xi32> to vector<1xi32>
      %squeeze3A_536 = vector.extract %slice3A_535[0] : i32 from vector<1xi32>
      %jit3A_537 = arith.constant 16 : i32
      %div3A_538 = arith.divsi %squeeze3A_536, %jit3A_537 : i32
      %sign3A_539 = arith.constant 0 : i32
      %sign3A_540 = arith.cmpi sgt, %squeeze3A_536, %sign3A_539 : i32
      %sign3A_541 = arith.extui %sign3A_540 : i1 to i32
      %sign3A_542 = arith.constant 0 : i32
      %sign3A_543 = arith.cmpi slt, %squeeze3A_536, %sign3A_542 : i32
      %sign3A_544 = arith.extui %sign3A_543 : i1 to i32
      %sign3A_545 = arith.subi %sign3A_541, %sign3A_544 : i32
      %sign3A_546 = arith.constant 0 : i32
      %sign3A_547 = arith.cmpi sgt, %jit3A_537, %sign3A_546 : i32
      %sign3A_548 = arith.extui %sign3A_547 : i1 to i32
      %sign3A_549 = arith.constant 0 : i32
      %sign3A_550 = arith.cmpi slt, %jit3A_537, %sign3A_549 : i32
      %sign3A_551 = arith.extui %sign3A_550 : i1 to i32
      %sign3A_552 = arith.subi %sign3A_548, %sign3A_551 : i32
      %ne3A_553 = arith.cmpi ne, %sign3A_545, %sign3A_552 : i32
      %rem3A_554 = arith.remsi %squeeze3A_536, %jit3A_537 : i32
      %ne3A_555 = arith.constant 0 : i32
      %ne3A_556 = arith.cmpi ne, %rem3A_554, %ne3A_555 : i32
      %and3A_557 = arith.andi %ne3A_553, %ne3A_556 : i1
      %sub3A_558 = arith.constant 1 : i32
      %sub3A_559 = arith.subi %div3A_538, %sub3A_558 : i32
      %select_n3A_560 = arith.select %and3A_557, %sub3A_559, %div3A_538 : i32
      %mul3A_561 = arith.constant 16 : i32
      %mul3A_562 = arith.muli %select_n3A_560, %mul3A_561 : i32
      %mul3A_563 = arith.constant 16 : i32
      %mul3A_564 = arith.muli %add3A_534, %mul3A_563 : i32
      %get3A_565 = arith.index_cast %mul3A_564 : i32 to index
      %get3A_566 = tpu.vector_load %arg6[%get3A_565] {strides = array<i32>} : memref<4096xf32, #tpu.memory_space<vmem>>, vector<16xf32>,
      %get3A_567 = vector.shape_cast %get3A_566 : vector<16xf32> to vector<16xf32>
      %sub3A_568 = arith.subi %squeeze3A_536, %mul3A_562 : i32
      %broadcast_in_dim3A_569 = vector.broadcast %sub3A_568 : i32 to vector<16xi32>
      %lt3A_570 = arith.constant 0 : i32
      %lt3A_571 = vector.broadcast %lt3A_570 : i32 to vector<16xi32>
      %lt3A_572 = arith.cmpi slt, %broadcast_in_dim3A_569, %lt3A_571 : vector<16xi32>
      %add3A_573 = arith.constant 16 : i32
      %add3A_574 = vector.broadcast %add3A_573 : i32 to vector<16xi32>
      %add3A_575 = arith.addi %broadcast_in_dim3A_569, %add3A_574 : vector<16xi32>
      %select_n3A_576 = arith.select %lt3A_572, %add3A_575, %broadcast_in_dim3A_569 : vector<16xi1>, vector<16xi32>
      %broadcast_in_dim3A_577 = vector.shape_cast %select_n3A_576 : vector<16xi32> to vector<16x1xi32>
      %gather3A_578 = vector.shape_cast %broadcast_in_dim3A_577 : vector<16x1xi32> to vector<16xi32>
      %gather3A_579 = tpu.dynamic_gather %get3A_567[%gather3A_578] in [0] : vector<16xf32>, vector<16xi32> -> vector<16xf32>
      %ne3A_580 = arith.constant 0 : i32
      %ne3A_581 = arith.cmpi ne, %squeeze3A_536, %ne3A_580 : i32
      %jit3A_582 = arith.constant 6.250000e-02 : f32
      %jit3A_583 = arith.constant 0.000000e+00 : f32
      %select_n3A_584 = arith.select %ne3A_581, %jit3A_582, %jit3A_583 : f32
      %mul3A_585 = vector.broadcast %select_n3A_584 : f32 to vector<16xf32>
      %mul3A_586 = arith.mulf %mul3A_585, %gather3A_579 : vector<16xf32>
      %add3A_587 = arith.addf %add3A_530, %mul3A_586 : vector<16xf32>
      %mul3A_588 = arith.constant 16 : i32
      %mul3A_589 = arith.muli %scan3A_24, %mul3A_588 : i32
      %add3A_590 = arith.constant 10 : i32
      %add3A_591 = arith.addi %mul3A_589, %add3A_590 : i32
      %slice3A_592 = vector.extract_strided_slice %get3A_29 {offsets = [10], sizes = [1], strides = [1]} : vector<16xi32> to vector<1xi32>
      %squeeze3A_593 = vector.extract %slice3A_592[0] : i32 from vector<1xi32>
      %jit3A_594 = arith.constant 16 : i32
      %div3A_595 = arith.divsi %squeeze3A_593, %jit3A_594 : i32
      %sign3A_596 = arith.constant 0 : i32
      %sign3A_597 = arith.cmpi sgt, %squeeze3A_593, %sign3A_596 : i32
      %sign3A_598 = arith.extui %sign3A_597 : i1 to i32
      %sign3A_599 = arith.constant 0 : i32
      %sign3A_600 = arith.cmpi slt, %squeeze3A_593, %sign3A_599 : i32
      %sign3A_601 = arith.extui %sign3A_600 : i1 to i32
      %sign3A_602 = arith.subi %sign3A_598, %sign3A_601 : i32
      %sign3A_603 = arith.constant 0 : i32
      %sign3A_604 = arith.cmpi sgt, %jit3A_594, %sign3A_603 : i32
      %sign3A_605 = arith.extui %sign3A_604 : i1 to i32
      %sign3A_606 = arith.constant 0 : i32
      %sign3A_607 = arith.cmpi slt, %jit3A_594, %sign3A_606 : i32
      %sign3A_608 = arith.extui %sign3A_607 : i1 to i32
      %sign3A_609 = arith.subi %sign3A_605, %sign3A_608 : i32
      %ne3A_610 = arith.cmpi ne, %sign3A_602, %sign3A_609 : i32
      %rem3A_611 = arith.remsi %squeeze3A_593, %jit3A_594 : i32
      %ne3A_612 = arith.constant 0 : i32
      %ne3A_613 = arith.cmpi ne, %rem3A_611, %ne3A_612 : i32
      %and3A_614 = arith.andi %ne3A_610, %ne3A_613 : i1
      %sub3A_615 = arith.constant 1 : i32
      %sub3A_616 = arith.subi %div3A_595, %sub3A_615 : i32
      %select_n3A_617 = arith.select %and3A_614, %sub3A_616, %div3A_595 : i32
      %mul3A_618 = arith.constant 16 : i32
      %mul3A_619 = arith.muli %select_n3A_617, %mul3A_618 : i32
      %mul3A_620 = arith.constant 16 : i32
      %mul3A_621 = arith.muli %add3A_591, %mul3A_620 : i32
      %get3A_622 = arith.index_cast %mul3A_621 : i32 to index
      %get3A_623 = tpu.vector_load %arg6[%get3A_622] {strides = array<i32>} : memref<4096xf32, #tpu.memory_space<vmem>>, vector<16xf32>,
      %get3A_624 = vector.shape_cast %get3A_623 : vector<16xf32> to vector<16xf32>
      %sub3A_625 = arith.subi %squeeze3A_593, %mul3A_619 : i32
      %broadcast_in_dim3A_626 = vector.broadcast %sub3A_625 : i32 to vector<16xi32>
      %lt3A_627 = arith.constant 0 : i32
      %lt3A_628 = vector.broadcast %lt3A_627 : i32 to vector<16xi32>
      %lt3A_629 = arith.cmpi slt, %broadcast_in_dim3A_626, %lt3A_628 : vector<16xi32>
      %add3A_630 = arith.constant 16 : i32
      %add3A_631 = vector.broadcast %add3A_630 : i32 to vector<16xi32>
      %add3A_632 = arith.addi %broadcast_in_dim3A_626, %add3A_631 : vector<16xi32>
      %select_n3A_633 = arith.select %lt3A_629, %add3A_632, %broadcast_in_dim3A_626 : vector<16xi1>, vector<16xi32>
      %broadcast_in_dim3A_634 = vector.shape_cast %select_n3A_633 : vector<16xi32> to vector<16x1xi32>
      %gather3A_635 = vector.shape_cast %broadcast_in_dim3A_634 : vector<16x1xi32> to vector<16xi32>
      %gather3A_636 = tpu.dynamic_gather %get3A_624[%gather3A_635] in [0] : vector<16xf32>, vector<16xi32> -> vector<16xf32>
      %ne3A_637 = arith.constant 0 : i32
      %ne3A_638 = arith.cmpi ne, %squeeze3A_593, %ne3A_637 : i32
      %jit3A_639 = arith.constant 6.250000e-02 : f32
      %jit3A_640 = arith.constant 0.000000e+00 : f32
      %select_n3A_641 = arith.select %ne3A_638, %jit3A_639, %jit3A_640 : f32
      %mul3A_642 = vector.broadcast %select_n3A_641 : f32 to vector<16xf32>
      %mul3A_643 = arith.mulf %mul3A_642, %gather3A_636 : vector<16xf32>
      %add3A_644 = arith.addf %add3A_587, %mul3A_643 : vector<16xf32>
      %mul3A_645 = arith.constant 16 : i32
      %mul3A_646 = arith.muli %scan3A_24, %mul3A_645 : i32
      %add3A_647 = arith.constant 11 : i32
      %add3A_648 = arith.addi %mul3A_646, %add3A_647 : i32
      %slice3A_649 = vector.extract_strided_slice %get3A_29 {offsets = [11], sizes = [1], strides = [1]} : vector<16xi32> to vector<1xi32>
      %squeeze3A_650 = vector.extract %slice3A_649[0] : i32 from vector<1xi32>
      %jit3A_651 = arith.constant 16 : i32
      %div3A_652 = arith.divsi %squeeze3A_650, %jit3A_651 : i32
      %sign3A_653 = arith.constant 0 : i32
      %sign3A_654 = arith.cmpi sgt, %squeeze3A_650, %sign3A_653 : i32
      %sign3A_655 = arith.extui %sign3A_654 : i1 to i32
      %sign3A_656 = arith.constant 0 : i32
      %sign3A_657 = arith.cmpi slt, %squeeze3A_650, %sign3A_656 : i32
      %sign3A_658 = arith.extui %sign3A_657 : i1 to i32
      %sign3A_659 = arith.subi %sign3A_655, %sign3A_658 : i32
      %sign3A_660 = arith.constant 0 : i32
      %sign3A_661 = arith.cmpi sgt, %jit3A_651, %sign3A_660 : i32
      %sign3A_662 = arith.extui %sign3A_661 : i1 to i32
      %sign3A_663 = arith.constant 0 : i32
      %sign3A_664 = arith.cmpi slt, %jit3A_651, %sign3A_663 : i32
      %sign3A_665 = arith.extui %sign3A_664 : i1 to i32
      %sign3A_666 = arith.subi %sign3A_662, %sign3A_665 : i32
      %ne3A_667 = arith.cmpi ne, %sign3A_659, %sign3A_666 : i32
      %rem3A_668 = arith.remsi %squeeze3A_650, %jit3A_651 : i32
      %ne3A_669 = arith.constant 0 : i32
      %ne3A_670 = arith.cmpi ne, %rem3A_668, %ne3A_669 : i32
      %and3A_671 = arith.andi %ne3A_667, %ne3A_670 : i1
      %sub3A_672 = arith.constant 1 : i32
      %sub3A_673 = arith.subi %div3A_652, %sub3A_672 : i32
      %select_n3A_674 = arith.select %and3A_671, %sub3A_673, %div3A_652 : i32
      %mul3A_675 = arith.constant 16 : i32
      %mul3A_676 = arith.muli %select_n3A_674, %mul3A_675 : i32
      %mul3A_677 = arith.constant 16 : i32
      %mul3A_678 = arith.muli %add3A_648, %mul3A_677 : i32
      %get3A_679 = arith.index_cast %mul3A_678 : i32 to index
      %get3A_680 = tpu.vector_load %arg6[%get3A_679] {strides = array<i32>} : memref<4096xf32, #tpu.memory_space<vmem>>, vector<16xf32>,
      %get3A_681 = vector.shape_cast %get3A_680 : vector<16xf32> to vector<16xf32>
      %sub3A_682 = arith.subi %squeeze3A_650, %mul3A_676 : i32
      %broadcast_in_dim3A_683 = vector.broadcast %sub3A_682 : i32 to vector<16xi32>
      %lt3A_684 = arith.constant 0 : i32
      %lt3A_685 = vector.broadcast %lt3A_684 : i32 to vector<16xi32>
      %lt3A_686 = arith.cmpi slt, %broadcast_in_dim3A_683, %lt3A_685 : vector<16xi32>
      %add3A_687 = arith.constant 16 : i32
      %add3A_688 = vector.broadcast %add3A_687 : i32 to vector<16xi32>
      %add3A_689 = arith.addi %broadcast_in_dim3A_683, %add3A_688 : vector<16xi32>
      %select_n3A_690 = arith.select %lt3A_686, %add3A_689, %broadcast_in_dim3A_683 : vector<16xi1>, vector<16xi32>
      %broadcast_in_dim3A_691 = vector.shape_cast %select_n3A_690 : vector<16xi32> to vector<16x1xi32>
      %gather3A_692 = vector.shape_cast %broadcast_in_dim3A_691 : vector<16x1xi32> to vector<16xi32>
      %gather3A_693 = tpu.dynamic_gather %get3A_681[%gather3A_692] in [0] : vector<16xf32>, vector<16xi32> -> vector<16xf32>
      %ne3A_694 = arith.constant 0 : i32
      %ne3A_695 = arith.cmpi ne, %squeeze3A_650, %ne3A_694 : i32
      %jit3A_696 = arith.constant 6.250000e-02 : f32
      %jit3A_697 = arith.constant 0.000000e+00 : f32
      %select_n3A_698 = arith.select %ne3A_695, %jit3A_696, %jit3A_697 : f32
      %mul3A_699 = vector.broadcast %select_n3A_698 : f32 to vector<16xf32>
      %mul3A_700 = arith.mulf %mul3A_699, %gather3A_693 : vector<16xf32>
      %add3A_701 = arith.addf %add3A_644, %mul3A_700 : vector<16xf32>
      %mul3A_702 = arith.constant 16 : i32
      %mul3A_703 = arith.muli %scan3A_24, %mul3A_702 : i32
      %add3A_704 = arith.constant 12 : i32
      %add3A_705 = arith.addi %mul3A_703, %add3A_704 : i32
      %slice3A_706 = vector.extract_strided_slice %get3A_29 {offsets = [12], sizes = [1], strides = [1]} : vector<16xi32> to vector<1xi32>
      %squeeze3A_707 = vector.extract %slice3A_706[0] : i32 from vector<1xi32>
      %jit3A_708 = arith.constant 16 : i32
      %div3A_709 = arith.divsi %squeeze3A_707, %jit3A_708 : i32
      %sign3A_710 = arith.constant 0 : i32
      %sign3A_711 = arith.cmpi sgt, %squeeze3A_707, %sign3A_710 : i32
      %sign3A_712 = arith.extui %sign3A_711 : i1 to i32
      %sign3A_713 = arith.constant 0 : i32
      %sign3A_714 = arith.cmpi slt, %squeeze3A_707, %sign3A_713 : i32
      %sign3A_715 = arith.extui %sign3A_714 : i1 to i32
      %sign3A_716 = arith.subi %sign3A_712, %sign3A_715 : i32
      %sign3A_717 = arith.constant 0 : i32
      %sign3A_718 = arith.cmpi sgt, %jit3A_708, %sign3A_717 : i32
      %sign3A_719 = arith.extui %sign3A_718 : i1 to i32
      %sign3A_720 = arith.constant 0 : i32
      %sign3A_721 = arith.cmpi slt, %jit3A_708, %sign3A_720 : i32
      %sign3A_722 = arith.extui %sign3A_721 : i1 to i32
      %sign3A_723 = arith.subi %sign3A_719, %sign3A_722 : i32
      %ne3A_724 = arith.cmpi ne, %sign3A_716, %sign3A_723 : i32
      %rem3A_725 = arith.remsi %squeeze3A_707, %jit3A_708 : i32
      %ne3A_726 = arith.constant 0 : i32
      %ne3A_727 = arith.cmpi ne, %rem3A_725, %ne3A_726 : i32
      %and3A_728 = arith.andi %ne3A_724, %ne3A_727 : i1
      %sub3A_729 = arith.constant 1 : i32
      %sub3A_730 = arith.subi %div3A_709, %sub3A_729 : i32
      %select_n3A_731 = arith.select %and3A_728, %sub3A_730, %div3A_709 : i32
      %mul3A_732 = arith.constant 16 : i32
      %mul3A_733 = arith.muli %select_n3A_731, %mul3A_732 : i32
      %mul3A_734 = arith.constant 16 : i32
      %mul3A_735 = arith.muli %add3A_705, %mul3A_734 : i32
      %get3A_736 = arith.index_cast %mul3A_735 : i32 to index
      %get3A_737 = tpu.vector_load %arg6[%get3A_736] {strides = array<i32>} : memref<4096xf32, #tpu.memory_space<vmem>>, vector<16xf32>,
      %get3A_738 = vector.shape_cast %get3A_737 : vector<16xf32> to vector<16xf32>
      %sub3A_739 = arith.subi %squeeze3A_707, %mul3A_733 : i32
      %broadcast_in_dim3A_740 = vector.broadcast %sub3A_739 : i32 to vector<16xi32>
      %lt3A_741 = arith.constant 0 : i32
      %lt3A_742 = vector.broadcast %lt3A_741 : i32 to vector<16xi32>
      %lt3A_743 = arith.cmpi slt, %broadcast_in_dim3A_740, %lt3A_742 : vector<16xi32>
      %add3A_744 = arith.constant 16 : i32
      %add3A_745 = vector.broadcast %add3A_744 : i32 to vector<16xi32>
      %add3A_746 = arith.addi %broadcast_in_dim3A_740, %add3A_745 : vector<16xi32>
      %select_n3A_747 = arith.select %lt3A_743, %add3A_746, %broadcast_in_dim3A_740 : vector<16xi1>, vector<16xi32>
      %broadcast_in_dim3A_748 = vector.shape_cast %select_n3A_747 : vector<16xi32> to vector<16x1xi32>
      %gather3A_749 = vector.shape_cast %broadcast_in_dim3A_748 : vector<16x1xi32> to vector<16xi32>
      %gather3A_750 = tpu.dynamic_gather %get3A_738[%gather3A_749] in [0] : vector<16xf32>, vector<16xi32> -> vector<16xf32>
      %ne3A_751 = arith.constant 0 : i32
      %ne3A_752 = arith.cmpi ne, %squeeze3A_707, %ne3A_751 : i32
      %jit3A_753 = arith.constant 6.250000e-02 : f32
      %jit3A_754 = arith.constant 0.000000e+00 : f32
      %select_n3A_755 = arith.select %ne3A_752, %jit3A_753, %jit3A_754 : f32
      %mul3A_756 = vector.broadcast %select_n3A_755 : f32 to vector<16xf32>
      %mul3A_757 = arith.mulf %mul3A_756, %gather3A_750 : vector<16xf32>
      %add3A_758 = arith.addf %add3A_701, %mul3A_757 : vector<16xf32>
      %mul3A_759 = arith.constant 16 : i32
      %mul3A_760 = arith.muli %scan3A_24, %mul3A_759 : i32
      %add3A_761 = arith.constant 13 : i32
      %add3A_762 = arith.addi %mul3A_760, %add3A_761 : i32
      %slice3A_763 = vector.extract_strided_slice %get3A_29 {offsets = [13], sizes = [1], strides = [1]} : vector<16xi32> to vector<1xi32>
      %squeeze3A_764 = vector.extract %slice3A_763[0] : i32 from vector<1xi32>
      %jit3A_765 = arith.constant 16 : i32
      %div3A_766 = arith.divsi %squeeze3A_764, %jit3A_765 : i32
      %sign3A_767 = arith.constant 0 : i32
      %sign3A_768 = arith.cmpi sgt, %squeeze3A_764, %sign3A_767 : i32
      %sign3A_769 = arith.extui %sign3A_768 : i1 to i32
      %sign3A_770 = arith.constant 0 : i32
      %sign3A_771 = arith.cmpi slt, %squeeze3A_764, %sign3A_770 : i32
      %sign3A_772 = arith.extui %sign3A_771 : i1 to i32
      %sign3A_773 = arith.subi %sign3A_769, %sign3A_772 : i32
      %sign3A_774 = arith.constant 0 : i32
      %sign3A_775 = arith.cmpi sgt, %jit3A_765, %sign3A_774 : i32
      %sign3A_776 = arith.extui %sign3A_775 : i1 to i32
      %sign3A_777 = arith.constant 0 : i32
      %sign3A_778 = arith.cmpi slt, %jit3A_765, %sign3A_777 : i32
      %sign3A_779 = arith.extui %sign3A_778 : i1 to i32
      %sign3A_780 = arith.subi %sign3A_776, %sign3A_779 : i32
      %ne3A_781 = arith.cmpi ne, %sign3A_773, %sign3A_780 : i32
      %rem3A_782 = arith.remsi %squeeze3A_764, %jit3A_765 : i32
      %ne3A_783 = arith.constant 0 : i32
      %ne3A_784 = arith.cmpi ne, %rem3A_782, %ne3A_783 : i32
      %and3A_785 = arith.andi %ne3A_781, %ne3A_784 : i1
      %sub3A_786 = arith.constant 1 : i32
      %sub3A_787 = arith.subi %div3A_766, %sub3A_786 : i32
      %select_n3A_788 = arith.select %and3A_785, %sub3A_787, %div3A_766 : i32
      %mul3A_789 = arith.constant 16 : i32
      %mul3A_790 = arith.muli %select_n3A_788, %mul3A_789 : i32
      %mul3A_791 = arith.constant 16 : i32
      %mul3A_792 = arith.muli %add3A_762, %mul3A_791 : i32
      %get3A_793 = arith.index_cast %mul3A_792 : i32 to index
      %get3A_794 = tpu.vector_load %arg6[%get3A_793] {strides = array<i32>} : memref<4096xf32, #tpu.memory_space<vmem>>, vector<16xf32>,
      %get3A_795 = vector.shape_cast %get3A_794 : vector<16xf32> to vector<16xf32>
      %sub3A_796 = arith.subi %squeeze3A_764, %mul3A_790 : i32
      %broadcast_in_dim3A_797 = vector.broadcast %sub3A_796 : i32 to vector<16xi32>
      %lt3A_798 = arith.constant 0 : i32
      %lt3A_799 = vector.broadcast %lt3A_798 : i32 to vector<16xi32>
      %lt3A_800 = arith.cmpi slt, %broadcast_in_dim3A_797, %lt3A_799 : vector<16xi32>
      %add3A_801 = arith.constant 16 : i32
      %add3A_802 = vector.broadcast %add3A_801 : i32 to vector<16xi32>
      %add3A_803 = arith.addi %broadcast_in_dim3A_797, %add3A_802 : vector<16xi32>
      %select_n3A_804 = arith.select %lt3A_800, %add3A_803, %broadcast_in_dim3A_797 : vector<16xi1>, vector<16xi32>
      %broadcast_in_dim3A_805 = vector.shape_cast %select_n3A_804 : vector<16xi32> to vector<16x1xi32>
      %gather3A_806 = vector.shape_cast %broadcast_in_dim3A_805 : vector<16x1xi32> to vector<16xi32>
      %gather3A_807 = tpu.dynamic_gather %get3A_795[%gather3A_806] in [0] : vector<16xf32>, vector<16xi32> -> vector<16xf32>
      %ne3A_808 = arith.constant 0 : i32
      %ne3A_809 = arith.cmpi ne, %squeeze3A_764, %ne3A_808 : i32
      %jit3A_810 = arith.constant 6.250000e-02 : f32
      %jit3A_811 = arith.constant 0.000000e+00 : f32
      %select_n3A_812 = arith.select %ne3A_809, %jit3A_810, %jit3A_811 : f32
      %mul3A_813 = vector.broadcast %select_n3A_812 : f32 to vector<16xf32>
      %mul3A_814 = arith.mulf %mul3A_813, %gather3A_807 : vector<16xf32>
      %add3A_815 = arith.addf %add3A_758, %mul3A_814 : vector<16xf32>
      %mul3A_816 = arith.constant 16 : i32
      %mul3A_817 = arith.muli %scan3A_24, %mul3A_816 : i32
      %add3A_818 = arith.constant 14 : i32
      %add3A_819 = arith.addi %mul3A_817, %add3A_818 : i32
      %slice3A_820 = vector.extract_strided_slice %get3A_29 {offsets = [14], sizes = [1], strides = [1]} : vector<16xi32> to vector<1xi32>
      %squeeze3A_821 = vector.extract %slice3A_820[0] : i32 from vector<1xi32>
      %jit3A_822 = arith.constant 16 : i32
      %div3A_823 = arith.divsi %squeeze3A_821, %jit3A_822 : i32
      %sign3A_824 = arith.constant 0 : i32
      %sign3A_825 = arith.cmpi sgt, %squeeze3A_821, %sign3A_824 : i32
      %sign3A_826 = arith.extui %sign3A_825 : i1 to i32
      %sign3A_827 = arith.constant 0 : i32
      %sign3A_828 = arith.cmpi slt, %squeeze3A_821, %sign3A_827 : i32
      %sign3A_829 = arith.extui %sign3A_828 : i1 to i32
      %sign3A_830 = arith.subi %sign3A_826, %sign3A_829 : i32
      %sign3A_831 = arith.constant 0 : i32
      %sign3A_832 = arith.cmpi sgt, %jit3A_822, %sign3A_831 : i32
      %sign3A_833 = arith.extui %sign3A_832 : i1 to i32
      %sign3A_834 = arith.constant 0 : i32
      %sign3A_835 = arith.cmpi slt, %jit3A_822, %sign3A_834 : i32
      %sign3A_836 = arith.extui %sign3A_835 : i1 to i32
      %sign3A_837 = arith.subi %sign3A_833, %sign3A_836 : i32
      %ne3A_838 = arith.cmpi ne, %sign3A_830, %sign3A_837 : i32
      %rem3A_839 = arith.remsi %squeeze3A_821, %jit3A_822 : i32
      %ne3A_840 = arith.constant 0 : i32
      %ne3A_841 = arith.cmpi ne, %rem3A_839, %ne3A_840 : i32
      %and3A_842 = arith.andi %ne3A_838, %ne3A_841 : i1
      %sub3A_843 = arith.constant 1 : i32
      %sub3A_844 = arith.subi %div3A_823, %sub3A_843 : i32
      %select_n3A_845 = arith.select %and3A_842, %sub3A_844, %div3A_823 : i32
      %mul3A_846 = arith.constant 16 : i32
      %mul3A_847 = arith.muli %select_n3A_845, %mul3A_846 : i32
      %mul3A_848 = arith.constant 16 : i32
      %mul3A_849 = arith.muli %add3A_819, %mul3A_848 : i32
      %get3A_850 = arith.index_cast %mul3A_849 : i32 to index
      %get3A_851 = tpu.vector_load %arg6[%get3A_850] {strides = array<i32>} : memref<4096xf32, #tpu.memory_space<vmem>>, vector<16xf32>,
      %get3A_852 = vector.shape_cast %get3A_851 : vector<16xf32> to vector<16xf32>
      %sub3A_853 = arith.subi %squeeze3A_821, %mul3A_847 : i32
      %broadcast_in_dim3A_854 = vector.broadcast %sub3A_853 : i32 to vector<16xi32>
      %lt3A_855 = arith.constant 0 : i32
      %lt3A_856 = vector.broadcast %lt3A_855 : i32 to vector<16xi32>
      %lt3A_857 = arith.cmpi slt, %broadcast_in_dim3A_854, %lt3A_856 : vector<16xi32>
      %add3A_858 = arith.constant 16 : i32
      %add3A_859 = vector.broadcast %add3A_858 : i32 to vector<16xi32>
      %add3A_860 = arith.addi %broadcast_in_dim3A_854, %add3A_859 : vector<16xi32>
      %select_n3A_861 = arith.select %lt3A_857, %add3A_860, %broadcast_in_dim3A_854 : vector<16xi1>, vector<16xi32>
      %broadcast_in_dim3A_862 = vector.shape_cast %select_n3A_861 : vector<16xi32> to vector<16x1xi32>
      %gather3A_863 = vector.shape_cast %broadcast_in_dim3A_862 : vector<16x1xi32> to vector<16xi32>
      %gather3A_864 = tpu.dynamic_gather %get3A_852[%gather3A_863] in [0] : vector<16xf32>, vector<16xi32> -> vector<16xf32>
      %ne3A_865 = arith.constant 0 : i32
      %ne3A_866 = arith.cmpi ne, %squeeze3A_821, %ne3A_865 : i32
      %jit3A_867 = arith.constant 6.250000e-02 : f32
      %jit3A_868 = arith.constant 0.000000e+00 : f32
      %select_n3A_869 = arith.select %ne3A_866, %jit3A_867, %jit3A_868 : f32
      %mul3A_870 = vector.broadcast %select_n3A_869 : f32 to vector<16xf32>
      %mul3A_871 = arith.mulf %mul3A_870, %gather3A_864 : vector<16xf32>
      %add3A_872 = arith.addf %add3A_815, %mul3A_871 : vector<16xf32>
      %mul3A_873 = arith.constant 16 : i32
      %mul3A_874 = arith.muli %scan3A_24, %mul3A_873 : i32
      %add3A_875 = arith.constant 15 : i32
      %add3A_876 = arith.addi %mul3A_874, %add3A_875 : i32
      %slice3A_877 = vector.extract_strided_slice %get3A_29 {offsets = [15], sizes = [1], strides = [1]} : vector<16xi32> to vector<1xi32>
      %squeeze3A_878 = vector.extract %slice3A_877[0] : i32 from vector<1xi32>
      %jit3A_879 = arith.constant 16 : i32
      %div3A_880 = arith.divsi %squeeze3A_878, %jit3A_879 : i32
      %sign3A_881 = arith.constant 0 : i32
      %sign3A_882 = arith.cmpi sgt, %squeeze3A_878, %sign3A_881 : i32
      %sign3A_883 = arith.extui %sign3A_882 : i1 to i32
      %sign3A_884 = arith.constant 0 : i32
      %sign3A_885 = arith.cmpi slt, %squeeze3A_878, %sign3A_884 : i32
      %sign3A_886 = arith.extui %sign3A_885 : i1 to i32
      %sign3A_887 = arith.subi %sign3A_883, %sign3A_886 : i32
      %sign3A_888 = arith.constant 0 : i32
      %sign3A_889 = arith.cmpi sgt, %jit3A_879, %sign3A_888 : i32
      %sign3A_890 = arith.extui %sign3A_889 : i1 to i32
      %sign3A_891 = arith.constant 0 : i32
      %sign3A_892 = arith.cmpi slt, %jit3A_879, %sign3A_891 : i32
      %sign3A_893 = arith.extui %sign3A_892 : i1 to i32
      %sign3A_894 = arith.subi %sign3A_890, %sign3A_893 : i32
      %ne3A_895 = arith.cmpi ne, %sign3A_887, %sign3A_894 : i32
      %rem3A_896 = arith.remsi %squeeze3A_878, %jit3A_879 : i32
      %ne3A_897 = arith.constant 0 : i32
      %ne3A_898 = arith.cmpi ne, %rem3A_896, %ne3A_897 : i32
      %and3A_899 = arith.andi %ne3A_895, %ne3A_898 : i1
      %sub3A_900 = arith.constant 1 : i32
      %sub3A_901 = arith.subi %div3A_880, %sub3A_900 : i32
      %select_n3A_902 = arith.select %and3A_899, %sub3A_901, %div3A_880 : i32
      %mul3A_903 = arith.constant 16 : i32
      %mul3A_904 = arith.muli %select_n3A_902, %mul3A_903 : i32
      %mul3A_905 = arith.constant 16 : i32
      %mul3A_906 = arith.muli %add3A_876, %mul3A_905 : i32
      %get3A_907 = arith.index_cast %mul3A_906 : i32 to index
      %get3A_908 = tpu.vector_load %arg6[%get3A_907] {strides = array<i32>} : memref<4096xf32, #tpu.memory_space<vmem>>, vector<16xf32>,
      %get3A_909 = vector.shape_cast %get3A_908 : vector<16xf32> to vector<16xf32>
      %sub3A_910 = arith.subi %squeeze3A_878, %mul3A_904 : i32
      %broadcast_in_dim3A_911 = vector.broadcast %sub3A_910 : i32 to vector<16xi32>
      %lt3A_912 = arith.constant 0 : i32
      %lt3A_913 = vector.broadcast %lt3A_912 : i32 to vector<16xi32>
      %lt3A_914 = arith.cmpi slt, %broadcast_in_dim3A_911, %lt3A_913 : vector<16xi32>
      %add3A_915 = arith.constant 16 : i32
      %add3A_916 = vector.broadcast %add3A_915 : i32 to vector<16xi32>
      %add3A_917 = arith.addi %broadcast_in_dim3A_911, %add3A_916 : vector<16xi32>
      %select_n3A_918 = arith.select %lt3A_914, %add3A_917, %broadcast_in_dim3A_911 : vector<16xi1>, vector<16xi32>
      %broadcast_in_dim3A_919 = vector.shape_cast %select_n3A_918 : vector<16xi32> to vector<16x1xi32>
      %gather3A_920 = vector.shape_cast %broadcast_in_dim3A_919 : vector<16x1xi32> to vector<16xi32>
      %gather3A_921 = tpu.dynamic_gather %get3A_909[%gather3A_920] in [0] : vector<16xf32>, vector<16xi32> -> vector<16xf32>
      %ne3A_922 = arith.constant 0 : i32
      %ne3A_923 = arith.cmpi ne, %squeeze3A_878, %ne3A_922 : i32
      %jit3A_924 = arith.constant 6.250000e-02 : f32
      %jit3A_925 = arith.constant 0.000000e+00 : f32
      %select_n3A_926 = arith.select %ne3A_923, %jit3A_924, %jit3A_925 : f32
      %mul3A_927 = vector.broadcast %select_n3A_926 : f32 to vector<16xf32>
      %mul3A_928 = arith.mulf %mul3A_927, %gather3A_921 : vector<16xf32>
      %add3A_929 = arith.addf %add3A_872, %mul3A_928 : vector<16xf32>
      scf.yield %add3A_929 : vector<16xf32>
    }
    %scan3A_20 = arith.constant 16 : i32
    %swap3A = arith.constant 0 : index
    %swap3A_21 = tpu.vector_load %arg7[%swap3A] {strides = array<i32>} : memref<16xf32, #tpu.memory_space<vmem>>, vector<16xf32>,
    %swap3A_22 = vector.shape_cast %swap3A_21 : vector<16xf32> to vector<16xf32>
    %swap3A_23 = vector.shape_cast %scan3A_19 : vector<16xf32> to vector<16xf32>
    tpu.vector_store %arg7[%swap3A], %swap3A_23 {strides = array<i32>} : memref<16xf32, #tpu.memory_space<vmem>>, vector<16xf32>,
    "tpu.region"() ({
      %run_scoped3A = tpu.sem_alloc : memref<!tpu.dma_semaphore, #tpu.memory_space<semaphore_mem>>
      %dma_start3A = arith.constant 0 : i32
      %dma_start3A_24 = tpu.memref_slice %arg4[%add3A, %dma_start3A] : memref<32x16xf32, #tpu.memory_space<hbm>> -> memref<1x16xf32, #tpu.memory_space<hbm>>
      %dma_start3A_25 = tpu.memref_squeeze %dma_start3A_24 : memref<1x16xf32, #tpu.memory_space<hbm>> -> memref<16xf32, #tpu.memory_space<hbm>>
      %dma_start3A_26 = arith.constant 0 : i32
      %dma_start3A_27 = tpu.memref_slice %arg4[%add3A, %dma_start3A_26] : memref<32x16xf32, #tpu.memory_space<hbm>> -> memref<1x16xf32, #tpu.memory_space<hbm>>
      %dma_start3A_28 = tpu.memref_squeeze %dma_start3A_27 : memref<1x16xf32, #tpu.memory_space<hbm>> -> memref<16xf32, #tpu.memory_space<hbm>>
      tpu.enqueue_dma source(%arg7 : memref<16xf32, #tpu.memory_space<vmem>>) target(%dma_start3A_28 : memref<16xf32, #tpu.memory_space<hbm>>) target_semaphore(%run_scoped3A : memref<!tpu.dma_semaphore, #tpu.memory_space<semaphore_mem>>)
      %dma_wait3A_29 = arith.constant 0 : i32
      %dma_wait3A_30 = tpu.memref_slice %arg4[%add3A, %dma_wait3A_29] : memref<32x16xf32, #tpu.memory_space<hbm>> -> memref<1x16xf32, #tpu.memory_space<hbm>>
      %dma_wait3A_31 = tpu.memref_squeeze %dma_wait3A_30 : memref<1x16xf32, #tpu.memory_space<hbm>> -> memref<16xf32, #tpu.memory_space<hbm>>
      %dma_wait3A_32 = arith.constant 0 : i32
      %dma_wait3A_33 = tpu.memref_slice %arg4[%add3A, %dma_wait3A_32] : memref<32x16xf32, #tpu.memory_space<hbm>> -> memref<1x16xf32, #tpu.memory_space<hbm>>
      %dma_wait3A_34 = tpu.memref_squeeze %dma_wait3A_33 : memref<1x16xf32, #tpu.memory_space<hbm>> -> memref<16xf32, #tpu.memory_space<hbm>>
      tpu.wait_dma2 semaphore(%run_scoped3A : memref<!tpu.dma_semaphore, #tpu.memory_space<semaphore_mem>>) src(%arg7 : memref<16xf32, #tpu.memory_space<vmem>>) dst(%dma_wait3A_34 : memref<16xf32, #tpu.memory_space<hbm>>)
      tpu.yield
    }) : () -> ()
    return
  }
}

module attributes {stable_mosaic.version = 14 : i64} {
  func.func @_combine_body(%arg0: memref<1x1xf32, #tpu.memory_space<smem>>, %arg1: memref<32x16xf32, #tpu.memory_space<vmem>>, %arg2: memref<1x1xf32, #tpu.memory_space<smem>>) attributes {dimension_semantics = [], scalar_prefetch = 0 : i64, scratch_operands = 0 : i64, tpu.core_type = #tpu.core_type<tc>} {
    %get3A = arith.constant 0 : index
    %get3A_0 = arith.constant 0 : index
    %get3A_1 = memref.load %arg0[%get3A, %get3A_0] : memref<1x1xf32, #tpu.memory_space<smem>>
    %get3A_2 = arith.constant 0 : index
    %get3A_3 = arith.constant 0 : index
    %get3A_4 = vector.load %arg1[%get3A_2, %get3A_3] : memref<32x16xf32, #tpu.memory_space<vmem>>, vector<32x16xf32>
    %reduce_sum3A = vector.shape_cast %get3A_4 : vector<32x16xf32> to vector<1x32x16xf32>
    %reduce_sum3A_5 = arith.constant dense<0.000000e+00> : vector<1xf32>
    %reduce_sum3A_6 = vector.multi_reduction <add>, %reduce_sum3A, %reduce_sum3A_5 [1, 2] : vector<1x32x16xf32> to vector<1xf32>
    %reduce_sum3A_7 = vector.shape_cast %reduce_sum3A_6 : vector<1xf32> to vector<1x1x1xf32>
    %reduce_sum3A_8 = vector.extract %reduce_sum3A_7[0, 0, 0] : f32 from vector<1x1x1xf32>
    %mul3A = arith.constant 0.899996876 : f32
    %mul3A_9 = arith.mulf %mul3A, %reduce_sum3A_8 : f32
    %sub3A = arith.subf %get3A_1, %mul3A_9 : f32
    %swap3A = arith.constant 0 : index
    %swap3A_10 = arith.constant 0 : index
    %swap3A_11 = memref.load %arg2[%swap3A, %swap3A_10] : memref<1x1xf32, #tpu.memory_space<smem>>
    memref.store %sub3A, %arg2[%swap3A, %swap3A_10] : memref<1x1xf32, #tpu.memory_space<smem>>
    return
  }
}

module attributes {stable_mosaic.version = 14 : i64} {
  func.func @_tc_body(%arg0: i32, %arg1: memref<128x32000xf32, #tpu.memory_space<vmem>>, %arg2: memref<128xi32, #tpu.memory_space<vmem>>, %arg3: memref<1x1xf32, #tpu.memory_space<smem>>) attributes {dimension_semantics = [#tpu.dimension_semantics<arbitrary>], iteration_bounds = array<i64: 64>, scalar_prefetch = 0 : i64, scratch_operands = 0 : i64, tpu.core_type = #tpu.core_type<tc>, window_params = [{transform_indices = @transform_0, window_bounds = array<i64: 128, 32000>}, {transform_indices = @transform_1, window_bounds = array<i64: 128>}, {transform_indices = @transform_2, window_bounds = array<i64: 1, 1>}]} {
    %eq3A = arith.constant 0 : i32
    %eq3A_0 = arith.cmpi eq, %arg0, %eq3A : i32
    %convert_element_type3A = arith.extui %eq3A_0 : i1 to i32
    %cond3A = arith.constant 0 : i32
    %cond3A_1 = arith.cmpi ne, %convert_element_type3A, %cond3A : i32
    scf.if %cond3A_1 {
      %swap3A_26 = arith.constant 0.000000e+00 : f32
      %swap3A_27 = arith.constant 0 : index
      %swap3A_28 = arith.constant 0 : index
      %swap3A_29 = memref.load %arg3[%swap3A_27, %swap3A_28] : memref<1x1xf32, #tpu.memory_space<smem>>
      memref.store %swap3A_26, %arg3[%swap3A_27, %swap3A_28] : memref<1x1xf32, #tpu.memory_space<smem>>
    } else {
    }
    %get3A = arith.constant 0 : index
    %get3A_2 = arith.constant 0 : index
    %get3A_3 = vector.load %arg1[%get3A, %get3A_2] : memref<128x32000xf32, #tpu.memory_space<vmem>>, vector<128x32000xf32>
    %get3A_4 = arith.constant 0 : index
    %get3A_5 = vector.load %arg2[%get3A_4] : memref<128xi32, #tpu.memory_space<vmem>>, vector<128xi32>
    %ne3A = arith.constant 0 : i32
    %ne3A_6 = vector.broadcast %ne3A : i32 to vector<128xi32>
    %ne3A_7 = arith.cmpi ne, %get3A_5, %ne3A_6 : vector<128xi32>
    %jit3A = arith.constant 1.000000e+00 : f32
    %jit3A_8 = arith.constant 0.000000e+00 : f32
    %broadcast_in_dim3A = vector.broadcast %jit3A : f32 to vector<128xf32>
    %broadcast_in_dim3A_9 = vector.broadcast %jit3A_8 : f32 to vector<128xf32>
    %select_n3A = arith.select %ne3A_7, %broadcast_in_dim3A, %broadcast_in_dim3A_9 : vector<128xi1>, vector<128xf32>
    %reduce_sum3A = arith.constant dense<0.000000e+00> : vector<128xf32>
    %reduce_sum3A_10 = vector.multi_reduction <add>, %get3A_3, %reduce_sum3A [1] : vector<128x32000xf32> to vector<128xf32>
    %get3A_11 = arith.constant 0 : index
    %get3A_12 = arith.constant 0 : index
    %get3A_13 = memref.load %arg3[%get3A_11, %get3A_12] : memref<1x1xf32, #tpu.memory_space<smem>>
    %mul3A = arith.constant 3.12509769E-6 : f32
    %mul3A_14 = vector.broadcast %mul3A : f32 to vector<128xf32>
    %mul3A_15 = arith.mulf %mul3A_14, %reduce_sum3A_10 : vector<128xf32>
    %sub3A = arith.constant -1.36242902 : f32
    %sub3A_16 = vector.broadcast %sub3A : f32 to vector<128xf32>
    %sub3A_17 = arith.subf %sub3A_16, %mul3A_15 : vector<128xf32>
    %mul3A_18 = arith.mulf %select_n3A, %sub3A_17 : vector<128xf32>
    %reduce_sum3A_19 = vector.shape_cast %mul3A_18 : vector<128xf32> to vector<1x128xf32>
    %reduce_sum3A_20 = arith.constant dense<0.000000e+00> : vector<1xf32>
    %reduce_sum3A_21 = vector.multi_reduction <add>, %reduce_sum3A_19, %reduce_sum3A_20 [1] : vector<1x128xf32> to vector<1xf32>
    %reduce_sum3A_22 = vector.shape_cast %reduce_sum3A_21 : vector<1xf32> to vector<1x1xf32>
    %reduce_sum3A_23 = vector.extract %reduce_sum3A_22[0, 0] : f32 from vector<1x1xf32>
    %add3A = arith.addf %get3A_13, %reduce_sum3A_23 : f32
    %swap3A = arith.constant 0 : index
    %swap3A_24 = arith.constant 0 : index
    %swap3A_25 = memref.load %arg3[%swap3A, %swap3A_24] : memref<1x1xf32, #tpu.memory_space<smem>>
    memref.store %add3A, %arg3[%swap3A, %swap3A_24] : memref<1x1xf32, #tpu.memory_space<smem>>
    return
  }
  func.func @transform_0(%arg0: i32) -> (i32, i32) {
    %c0_i32 = arith.constant 0 : i32
    %c0_i32_0 = arith.constant 0 : i32
    return %arg0, %c0_i32 : i32, i32
  }
  func.func @transform_1(%arg0: i32) -> i32 {
    %c0_i32 = arith.constant 0 : i32
    return %arg0 : i32
  }
  func.func @transform_2(%arg0: i32) -> (i32, i32) {
    %c0_i32 = arith.constant 0 : i32
    %c0_i32_0 = arith.constant 0 : i32
    %c0_i32_1 = arith.constant 0 : i32
    return %c0_i32, %c0_i32_0 : i32, i32
  }
}

</mosaic_0001>

<sc_bundles>
// kernel: kernel.5.cloned.1.call-start
scs
__scs_entry_jumppad:
0x0: {  	(pc) =	sbr.rel $0x88, $3  }
0x1: {  	(tag) =	ssettag $0x0;
	lr =	simm.s32 $0x1  }
0x2: {  	[smem:$0x3F9F] =	sst lr;
	_ =	strace $0xD0000000  }
0x3: {  	_ = 	snop  }
0x4: {  	_ = 	snop  }
0x5: {  	_ = 	snop  }
0x6: {  	_ = 	snop  }
0x7: {  	_ = 	snop  }
__scs_overlays_trampoline_lowered:
0x8: {  	[smem:$0x3FAE] =	sst s0  }
0x9: {  	[smem:$0x3FAF] =	sst s1  }
0xa: {  	[smem:$0x3FB0] =	sst s2  }
0xb: {  	[smem:$0x3FB1] =	sst s3  }
0xc: {  	[smem:$0x3FB2] =	sst s4  }
0xd: {  	[smem:$0x3FB3] =	sst s5  }
0xe: {  	[smem:$0x3FB4] =	sst s6  }
0xf: {  	[smem:$0x3FB5] =	sst s7  }
0x10: {  	[smem:$0x3FB6] =	sst s8  }
0x11: {  	[smem:$0x3FB7] =	sst s9;
	s0 =	simm.s32 @!p0 $0x0  }
0x12: {  	s1 =	sld [smem:$0x3F9D];
	s0 =	simm.s32 @p0 $0x1  }
0x13: {  	[smem:$0x3FB8] =	sst s0;
	s0 =	simm.s32 @!p1 $0x0  }
0x14: {  	s2 =	sld [smem:$0x3F9C];
	s0 =	simm.s32 @p1 $0x1  }
0x15: {  	[smem:$0x3FB9] =	sst s0;
	s0 =	simm.s32 @!p2 $0x0  }
0x16: {  	s3 =	sld [smem:$0x3FDB];
	s0 =	simm.s32 @p2 $0x1  }
0x17: {  	s4 =	simm.s32 $0x1BF5;
	[smem:$0x3FBB] =	sst s0  }
0x18: {  	s0 =	sld [smem:$0x3F9E];
	_ =	swait.ge [sflag:s4], $0x0  }
0x19: {  	s7 =	sld [smem:$0x3F9F]  }
0x1a: {  	s8 =	sadd.s32 $0xFFFFE003, lr  }
0x1b: {  	s9 =	sadd.s32 $0xFFFFFEF7, lr;
	s5 =	simm.s32 $0xFFFFFFFF;
	p2 =	slt.u32 s8, $0xFFFFF086  }
0x1c: {  	p1 =	slt.u32 s9, $0xF7A;
	s5 =	simm.s32 @!p2 $0x0  }
0x1d: {  	s5 =	simm.s32 @p1 $0x1;
	p0 =	seq.s32 s7, s2  }
0x1e: {  	s7 =	smul.u32 @!p0 $0xF7A, s2;
	p2 =	seq.s32 @!p0 s5, $0x0  }
0x1f: {  	s9 =	smul.u32 $0xF7A, s1;
	s8 =	simm.s32 @!p0 $0x1BF5;
	p2 =	por !p2, p0  }
0x20: {  	[sflag:s8] =	ssyncset.s32 @!p0 $0xFFFFF086;
	s6 =	sadd.s32 @!p0 s3, s7;
	s7 =	simm.s32 @!p0 $0x108  }
0x21: {  	s3 =	sadd.s32 s3, s9;
	s6 =	sadd.s32 @!p0 $0x88, s6;
	s7 =	simm.s32 @p2 $0x1082  }
0x22: {  	[simem:s7], [sflag:s8] =	dma.local @!p0 [hbm:s6], $0xF7A  }
0x23: {  	s9 =	sor.u32 $0xD0000000, s2;
	s6 =	simm.s32 $0x108;
	_ =	swait.ge @!p0 [sflag:s8], $0x0  }
0x24: {  	s3 =	sadd.s32 $0x88, s3;
	s6 =	simm.s32 @!p1 $0x1082;
	[sflag:s4] =	ssyncset.s32 $0xFFFFF086  }
0x25: {  	[simem:s6], [sflag:s4] =	dma.local [hbm:s3], $0xF7A  }
0x26: {  	[smem:$0x3F9F] =	sst s1;
	(tag) =	ssettag s2;
	_ =	strace s9  }
0x27: {  	s1 =	sld [smem:$0x3FAF]  }
0x28: {  	s2 =	sld [smem:$0x3FB0]  }
0x29: {  	s4 =	sld [smem:$0x3FB2]  }
0x2a: {  	p0 =	seq.s32 s5, $0x0;
	s5 =	sld [smem:$0x3FB3]  }
0x2b: {  	s6 =	sld [smem:$0x3FB4]  }
0x2c: {  	s7 =	sld [smem:$0x3FB5]  }
0x2d: {  	s3 =	simm.s32 $0x108;
	s8 =	sld [smem:$0x3FB6]  }
0x2e: {  	s3 =	simm.s32 @!p0 $0x1082;
	s9 =	sld [smem:$0x3FB7]  }
0x2f: {  	lr =	sadd.s32 s0, s3;
	s0 =	sld [smem:$0x3FAE]  }
0x30: {  	s3 =	sld [smem:$0x3FB1]  }
0x31: {  	[smem:$0x3FBA] =	sst s10  }
0x32: {  	s10 =	sld [smem:$0x3FB8];
	_ =	sdelay $0x3  }
0x33: {  	p0 =	seq.s32 s10, $0x1;
	s10 =	sld [smem:$0x3FBA];
	_ =	sdelay $0x3  }
0x34: {  	[smem:$0x3FBA] =	sst s10  }
0x35: {  	s10 =	sld [smem:$0x3FB9];
	_ =	sdelay $0x3  }
0x36: {  	p1 =	seq.s32 s10, $0x1;
	s10 =	sld [smem:$0x3FBA];
	_ =	sdelay $0x3  }
0x37: {  	[smem:$0x3FBA] =	sst s10  }
0x38: {  	s10 =	sld [smem:$0x3FBB]  }
0x39: {  	_ = 	snop;
	(pc) =	sbr.ind lr, $3  }
0x3a: {  	_ = 	snop  }
0x3b: {  	_ = 	snop  }
0x3c: {  	p2 =	seq.s32 s10, $0x1;
	s10 =	sld [smem:$0x3FBA]  }
0x3d: {  	_ =	shalt  }
0x3e: {  	_ =	shalt  }
0x3f: {  	_ =	shalt  }
0x40: {  	_ =	shalt  }
0x41: {  	_ =	shalt  }
0x42: {  	_ =	shalt  }
0x43: {  	_ =	shalt  }
0x44: {  	_ =	shalt  }
0x45: {  	_ =	shalt  }
0x46: {  	_ =	shalt  }
0x47: {  	_ =	shalt  }
0x48: {  	_ =	shalt  }
0x49: {  	_ =	shalt  }
0x4a: {  	_ =	shalt  }
0x4b: {  	_ =	shalt  }
0x4c: {  	_ =	shalt  }
0x4d: {  	_ =	shalt  }
0x4e: {  	_ =	shalt  }
0x4f: {  	_ =	shalt  }
0x50: {  	_ =	shalt  }
0x51: {  	_ =	shalt  }
0x52: {  	_ =	shalt  }
0x53: {  	_ =	shalt  }
0x54: {  	_ =	shalt  }
0x55: {  	_ =	shalt  }
0x56: {  	_ =	shalt  }
0x57: {  	_ =	shalt  }
0x58: {  	_ =	shalt  }
0x59: {  	_ =	shalt  }
0x5a: {  	_ =	shalt  }
0x5b: {  	_ =	shalt  }
0x5c: {  	_ =	shalt  }
0x5d: {  	_ =	shalt  }
0x5e: {  	_ =	shalt  }
0x5f: {  	_ =	shalt  }
0x60: {  	_ =	shalt  }
0x61: {  	_ =	shalt  }
0x62: {  	_ =	shalt  }
0x63: {  	_ =	shalt  }
0x64: {  	_ =	shalt  }
0x65: {  	_ =	shalt  }
0x66: {  	_ =	shalt  }
0x67: {  	_ =	shalt  }
0x68: {  	_ =	shalt  }
0x69: {  	_ =	shalt  }
0x6a: {  	_ =	shalt  }
0x6b: {  	_ =	shalt  }
0x6c: {  	_ =	shalt  }
0x6d: {  	_ =	shalt  }
0x6e: {  	_ =	shalt  }
0x6f: {  	_ =	shalt  }
0x70: {  	_ =	shalt  }
0x71: {  	_ =	shalt  }
0x72: {  	_ =	shalt  }
0x73: {  	_ =	shalt  }
0x74: {  	_ =	shalt  }
0x75: {  	_ =	shalt  }
0x76: {  	_ =	shalt  }
0x77: {  	_ =	shalt  }
0x78: {  	_ =	shalt  }
0x79: {  	_ =	shalt  }
0x7a: {  	_ =	shalt  }
0x7b: {  	_ =	shalt  }
0x7c: {  	_ =	shalt  }
0x7d: {  	_ =	shalt  }
0x7e: {  	_ =	shalt  }
0x7f: {  	_ =	shalt  }
0x80: {  	_ =	shalt  }
0x81: {  	_ =	shalt  }
0x82: {  	_ =	shalt  }
0x83: {  	_ =	shalt  }
0x84: {  	_ =	shalt  }
0x85: {  	_ =	shalt  }
0x86: {  	_ =	shalt  }
0x87: {  	_ =	shalt  }
.Lfunc_end0:
.L_simem_size_0:
called_computation_lowered:
.L_overlay_start_0:
0x88: {  	s2 =	sld [smem:$0x3FD9]  }
0x89: {  	s3 =	sld [smem:$0x3FFE];
	_ =	sdelay $0x1  }
0x8a: {  	s1 =	srdreg.scid  }
0x8b: {  	s0 =	sand.u32 $0x1, s1  }
0x8c: {  	s17 =	sshll.u32 s0, $0xA;
	s2 =	sadd.s32 s3, s2  }
0x8d: {  	s2 =	sadd.s32 s2, s17  }
0x8e: {  	[smem:$0x3FC6] =	sst s2  }
0x8f: {  	_ = 	snop  }
0x90: {  	s2 =	sld [smem:$0x3FC9]  }
0x91: {  	s18 =	sld [smem:$0x3FC8];
	(tm) =	ssettm $0x1  }
0x92: {  	s4 =	sld [smem:$0x3FFB];
	_ =	sdelay $0x3  }
0x93: {  	_ =	strace s4  }
0x94: {  	s4 =	sld [smem:$0x3FFC];
	_ =	sdelay $0x3  }
0x95: {  	_ =	strace s4  }
0x96: {  	s4 =	sld [smem:$0x3FFD];
	_ =	sdelay $0x3  }
0x97: {  	_ =	strace s4  }
0x98: {  	_ =	strace $0x8FFFFFFF  }
0x99: {  	s19 =	sld [smem:$0x3FDB];
	_ =	sdelay $0x1  }
0x9a: {  	s5 =	simm.s32 $_scs_section_size  }
0x9b: {  	s6 =	simm.s32 $_size__tile_overlayer_lowered;
	s7 =	simm.s32 $_tile_overlayer_lowered  }
0x9c: {  	s22 =	simm.s32 $0x1BFF;
	s21 =	sshll.u32 s7, $0x1;
	s4 =	sadd.s32 s5, s19  }
0x9d: {  	s8 =	simm.s32 $0x0;
	s20 =	sshll.u32 s6, $0x1;
	s6 =	sadd.s32 s21, s4  }
0x9e: {  	[timem:s8], [sflag:s22] =	dma.local [hbm:s6], s20  }
0x9f: {  	_ =	swait.ge [sflag:s22], s20  }
0xa0: {  	s5 =	ssub.s32 $0x0, s20;
	[sflag:s22] =	ssyncset.done $0x0  }
0xa1: {  	[sflag:s22] =	ssyncadd.s32 s5;
	_ =	sdelay $0x1  }
0xa2: {  	s23 =	simm.s32 $0x1B8B  }
0xa3: {  	_ =	swait.ge [sflag:s23], $0x1  }
0xa4: {  	[sflag:s23] =	ssyncset.done $0x0  }
0xa5: {  	s25 =	simm.s32 $0x1B8E;
	s24 =	sld [smem:$0x3FFE];
	[sflag:s23] =	ssyncadd.s32 $0xFFFFFFFF  }
0xa6: {  	s26 =	simm.s32 $execute0_lowered;
	[smem:$0x3FD2] =	sst s25  }
0xa7: {  	s6 =	sshll.u32 s26, $0x1;
	_ =	strace $0x80000046;
	[dreg:$0x1] =	wrdreg $0xFFFFFFFF  }
0xa8: {  	s28 =	simm.s32 $_size_execute0_lowered;
	s4 =	sadd.s32 s4, s6;
	[dreg:$0x0] =	wrdreg $0x0  }
0xa9: {  	s6 =	sshll.u32 s28, $0x1;
	[dreg:$0x2] =	wrdreg s4  }
0xaa: {  	[dreg:$0x3] =	wrdreg s6  }
0xab: {  	[dreg:$0x4] =	wrdreg $0xC0  }
0xac: {  	_ =	task [dreg:s8], $0x5FFFF  }
0xad: {  	[dreg:$0x1] =	wrdreg $0xFFFFFFFF  }
0xae: {  	[dreg:$0x0] =	wrdreg $0x60  }
0xaf: {  	[dreg:$0x2] =	wrdreg s2  }
0xb0: {  	[dreg:$0x3] =	wrdreg s18  }
0xb1: {  	[dreg:$0x4] =	wrdreg s24  }
0xb2: {  	[dreg:$0x5] =	wrdreg $0x9  }
0xb3: {  	_ =	task.clear_ibuf [dreg:s8], $0x6FFFF;
	_ =	strace $0x90000046  }
0xb4: {  	s29 =	simm.s32 $0x9;
	_ =	strace $0x80000048  }
0xb5: {  	_ =	swait.ge [sflag:s29], $0x1  }
0xb6: {  	[sflag:s29] =	ssyncadd.s32 $0xFFFFFFFF  }
0xb7: {  	_ =	strace $0x90000048  }
0xb8: {  	_ =	sfence  }
0xb9: {  	s30 =	sld [smem:$0x0];
	_ =	sdelay $0x2  }
0xba: {  	s31 =	sshll.u32 s1, $0xD;
	s1 =	sshrl.u32 s1, $0x2  }
0xbb: {  	s3 =	sand.u32 $0x4000, s31;
	s1 =	sadd.s32 s1, s30  }
0xbc: {  	s0 =	sor.u32 s3, s0;
	s1 =	sshll.u32 s1, $0x11  }
0xbd: {  	s0 =	sor.u32 s1, s0  }
0xbe: {  	s0 =	sadd.s32 $0x8F2B, s0  }
0xbf: {  	[sflag:s0] =	ssyncadd.remote.s32 $0x1  }
0xc0: {  	_ =	sfence.sel $0xFFFF  }
0xc1: {  	[dreg:$0x0] =	wrdreg $0xFFFFFFFF;
	(pc) =	sbr.abs _section_cstart, $3  }
0xc2: {  	[dreg:$0x1] =	wrdreg $0xFFFFFFFF  }
0xc3: {  	_ =	task.clear_ibuf [dreg:s8], $0x2FFFF;
	_ =	strace $0x9FFFFFFF  }
0xc4: {  	(tm) =	ssettm $0x7FFFFFFF  }
0xc5: {  	_ =	shalt  }
tec
execute0_lowered:
.L_overlay_start_1:
0x0: {  	(tag) =	ssettag $0x1  }
0x1: {  	s1 =	rddreg [dreg:$0x0]  }
0x2: {  	s4 =	rddreg [dreg:$0x1]  }
0x3: {  	s5 =	rddreg [dreg:$0x2]  }
0x4: {  	s0 =	rddreg [dreg:$0x3]  }
0x5: {  	s6 =	srdreg.scid;
	s2 =	stileid.u32  }
0x6: {  	s3 =	simm.s32 $0x0;
	s16 =	simm.s32 $0x1100;
	s17 =	simm.s32 $0x0  }
0x7: {  	s6 =	sand.u32 $0x1, s6;
	s7 =	sshll.u32 s2, $0x1;
	[smem:$0x7FF] =	sst s3  }
0x8: {  	s28 =	sshll.u32 s2, $0x9;
	s7 =	sor.u32 s6, s7;
	s8 =	ssub.s32 $0x2, s6  }
0x9: {  	_ =	strace $0x80000047;
	s29 =	sshll.u32 s6, $0x8;
	s6 =	sadd.s32 $0x20, s1  }
0xa: {  	s9 =	sshll.u32 s7, $0x4;
	s10 =	sshrl.u32 s8, $0x1;
	s26 =	sshll.u32 s7, $0x5  }
0xb: {  	s7 =	sadd.s32 $0x30, s1;
	s12 =	sadd.s32 s9, s5;
	s13 =	ssub.s32 s8, s10  }
0xc: {  	s4 =	sadd.s32 s4, s26;
	s5 =	sadd.s32 $0x10, s1;
	s8 =	sor.u32 s29, s28  }
0xd: {  	s9 =	sadd.s32 $0x50, s1;
	s30 =	sshrl.u32 s8, $0x3;
	s31 =	sor.u32 $0x8, s8  }
0xe: {  	s10 =	sadd.s32 $0x60, s1;
	s14 =	smul.u32 $0x3E800, s30;
	s11 =	sshrl.u32 s31, $0x3  }
0xf: {  	s8 =	sadd.s32 $0x40, s1;
	s12 =	sadd.s32 $0x800, s12;
	s15 =	smul.u32 $0x3E800, s11  }
0x10: {  	s13 =	smax.u32 s13, $0x1;
	s11 =	sadd.s32 $0x70, s1;
	[dreg:$0x4] =	wrdreg s14  }
0x11: {  	s14 =	simm.s32 $0x2;
	[dreg:$0x5] =	wrdreg s15;
	s15 =	simm.s32 $0x1  }
.LBB2_1:
0x12: {  	[tilespmem:s3], [sflag:$0x2] =	stream.linear.gather [hbm4b:s4+s3], $0x100, $0x38;
	[tilespmem:$0x1180] =	vst v63  }
0x13: {  	_ =	swait.ge [sflag:s14], $0x100  }
0x14: {  	s18 =	simm.s32 $0x0;
	[sflag:s14] =	ssyncset.done $0x0  }
0x15: {  	s19 =	simm.s32 $0x0;
	s20 =	simm.s32 $0x0;
	[sflag:s14] =	ssyncadd.s32 $0xFFFFFF00  }
.LBB2_2:
0x16: {  	v0 =	vld [tilespmem:s18+$0x0];
	_ =	sdelay $0x4  }
0x17: {  	(v2sf) =	vpush v0, $0x0;
	_ =	sdelay $0x8  }
0x18: {  	(v2sf) =	vpush v0, $0x1;
	_ =	sdelay $0x5  }
0x19: {  	s21 =	spop (v2sf)  }
0x1a: {  	s22 =	sand.u32 $0xF, s21  }
0x1b: {  	s23 =	sshra.s32 s21, $0x1F;
	p0 =	slt.s32 s21, $0x1;
	p1 =	sne.s32 s22, $0x0  }
0x1c: {  	s28 =	sshrl.u32 s23, $0x1C;
	p0 =	por !p0, !p1  }
0x1d: {  	s22 =	simm.s32 $0x1;
	s21 =	sadd.s32 s28, s21;
	p0 =	por !p0, !p0  }
0x1e: {  	(v2sf) =	vpush v0, $0x2;
	s21 =	sshra.s32 s21, $0x4;
	s22 =	simm.s32 @!p0 $0x0  }
0x1f: {  	s21 =	ssub.s32 s21, s22  }
0x20: {  	s30 =	sshll.u32 s21, $0x7;
	s21 =	sshll.u32 s21, $0x4  }
0x21: {  	s29 =	rddreg [dreg:$0x4];
	s23 =	sand.u32 $0xFFFFFC00, s30;
	s21 =	sand.u32 $0x70, s21  }
0x22: {  	s31 =	spop (v2sf);
	s22 =	sadd.s32 s19, s29;
	s21 =	sor.u32 s21, s23  }
0x23: {  	s25 =	sand.u32 $0xF, s31;
	s26 =	sshra.s32 s31, $0x1F;
	s23 =	sadd.s32 s21, s22  }
0x24: {  	p2 =	slt.s32 s31, $0x1;
	s21 =	sshra.s32 s20, $0x2;
	s23 =	sshrl.u32 s23, $0x3  }
0x25: {  	p1 =	sne.s32 s25, $0x0;
	s24 =	sadd.s32 $0x100, s21;
	s23 =	sadd.s32 s1, s23  }
0x26: {  	[tilespmem:s24], [sflag:$0x1] =	stream.linear.gather [hbm4b:s23+s3], $0x10, $0x38;
	[tilespmem:$0x1180] =	vst v63  }
0x27: {  	p0 =	por !p2, !p1;
	s24 =	sshrl.u32 s26, $0x1C  }
0x28: {  	(v2sf) =	vpush v0, $0x3;
	p0 =	por !p0, !p0;
	s23 =	sadd.s32 s24, s31;
	s24 =	simm.s32 $0x1  }
0x29: {  	s23 =	sshra.s32 s23, $0x4;
	s24 =	simm.s32 @!p0 $0x0  }
0x2a: {  	s23 =	ssub.s32 s23, s24  }
0x2b: {  	s24 =	sshll.u32 s23, $0x7;
	s23 =	sshll.u32 s23, $0x4  }
0x2c: {  	s24 =	sand.u32 $0xFFFFFC00, s24;
	s23 =	sand.u32 $0x70, s23  }
0x2d: {  	s28 =	sadd.s32 $0x110, s21;
	s29 =	spop (v2sf);
	s23 =	sor.u32 s23, s24  }
0x2e: {  	s30 =	sand.u32 $0xF, s29;
	s31 =	sshra.s32 s29, $0x1F;
	s23 =	sadd.s32 s23, s22  }
0x2f: {  	p4 =	slt.s32 s29, $0x1;
	p3 =	sne.s32 s30, $0x0;
	s23 =	sshrl.u32 s23, $0x3  }
0x30: {  	p0 =	por !p4, !p3;
	s24 =	sshrl.u32 s31, $0x1C;
	s23 =	sadd.s32 s23, s5  }
0x31: {  	[tilespmem:s28], [sflag:$0x1] =	stream.linear.gather [hbm4b:s23+s3], $0x10, $0x38;
	[tilespmem:$0x1180] =	vst v63  }
0x32: {  	(v2sf) =	vpush v0, $0x4;
	p0 =	por !p0, !p0;
	s23 =	sadd.s32 s24, s29;
	s24 =	simm.s32 $0x1  }
0x33: {  	s23 =	sshra.s32 s23, $0x4;
	s24 =	simm.s32 @!p0 $0x0  }
0x34: {  	s23 =	ssub.s32 s23, s24  }
0x35: {  	s24 =	sshll.u32 s23, $0x7;
	s23 =	sshll.u32 s23, $0x4  }
0x36: {  	s24 =	sand.u32 $0xFFFFFC00, s24;
	s23 =	sand.u32 $0x70, s23  }
0x37: {  	s25 =	sadd.s32 $0x120, s21;
	s26 =	spop (v2sf);
	s23 =	sor.u32 s23, s24  }
0x38: {  	p6 =	slt.s32 s26, $0x1;
	s28 =	sand.u32 $0xF, s26;
	s23 =	sadd.s32 s23, s22  }
0x39: {  	s29 =	sshra.s32 s26, $0x1F;
	p5 =	sne.s32 s28, $0x0;
	s23 =	sshrl.u32 s23, $0x3  }
0x3a: {  	p0 =	por !p6, !p5;
	s24 =	sshrl.u32 s29, $0x1C;
	s23 =	sadd.s32 s23, s6  }
0x3b: {  	[tilespmem:s25], [sflag:$0x1] =	stream.linear.gather [hbm4b:s23+s3], $0x10, $0x38;
	[tilespmem:$0x1180] =	vst v63  }
0x3c: {  	(v2sf) =	vpush v0, $0x5;
	p0 =	por !p0, !p0;
	s23 =	sadd.s32 s24, s26;
	s24 =	simm.s32 $0x1  }
0x3d: {  	s23 =	sshra.s32 s23, $0x4;
	s24 =	simm.s32 @!p0 $0x0  }
0x3e: {  	s23 =	ssub.s32 s23, s24  }
0x3f: {  	s24 =	sshll.u32 s23, $0x7;
	s23 =	sshll.u32 s23, $0x4  }
0x40: {  	s24 =	sand.u32 $0xFFFFFC00, s24;
	s23 =	sand.u32 $0x70, s23  }
0x41: {  	s30 =	sadd.s32 $0x130, s21;
	s31 =	spop (v2sf);
	s23 =	sor.u32 s23, s24  }
0x42: {  	p2 =	slt.s32 s31, $0x1;
	s25 =	sand.u32 $0xF, s31;
	s23 =	sadd.s32 s23, s22  }
0x43: {  	s26 =	sshra.s32 s31, $0x1F;
	p1 =	sne.s32 s25, $0x0;
	s23 =	sshrl.u32 s23, $0x3  }
0x44: {  	p0 =	por !p2, !p1;
	s24 =	sshrl.u32 s26, $0x1C;
	s23 =	sadd.s32 s23, s7  }
0x45: {  	[tilespmem:s30], [sflag:$0x1] =	stream.linear.gather [hbm4b:s23+s3], $0x10, $0x38;
	[tilespmem:$0x1180] =	vst v63  }
0x46: {  	(v2sf) =	vpush v0, $0x6;
	p0 =	por !p0, !p0;
	s23 =	sadd.s32 s24, s31;
	s24 =	simm.s32 $0x1  }
0x47: {  	s23 =	sshra.s32 s23, $0x4;
	s24 =	simm.s32 @!p0 $0x0  }
0x48: {  	s23 =	ssub.s32 s23, s24  }
0x49: {  	s24 =	sshll.u32 s23, $0x7;
	s23 =	sshll.u32 s23, $0x4  }
0x4a: {  	s24 =	sand.u32 $0xFFFFFC00, s24;
	s23 =	sand.u32 $0x70, s23  }
0x4b: {  	s28 =	sadd.s32 $0x140, s21;
	s29 =	spop (v2sf);
	s23 =	sor.u32 s23, s24  }
0x4c: {  	p4 =	slt.s32 s29, $0x1;
	s30 =	sand.u32 $0xF, s29;
	s23 =	sadd.s32 s23, s22  }
0x4d: {  	s31 =	sshra.s32 s29, $0x1F;
	p3 =	sne.s32 s30, $0x0;
	s23 =	sshrl.u32 s23, $0x3  }
0x4e: {  	p0 =	por !p4, !p3;
	s24 =	sshrl.u32 s31, $0x1C;
	s23 =	sadd.s32 s23, s8  }
0x4f: {  	[tilespmem:s28], [sflag:$0x1] =	stream.linear.gather [hbm4b:s23+s3], $0x10, $0x38;
	[tilespmem:$0x1180] =	vst v63  }
0x50: {  	(v2sf) =	vpush v0, $0x7;
	p0 =	por !p0, !p0;
	s23 =	sadd.s32 s24, s29;
	s24 =	simm.s32 $0x1  }
0x51: {  	s23 =	sshra.s32 s23, $0x4;
	s24 =	simm.s32 @!p0 $0x0  }
0x52: {  	s23 =	ssub.s32 s23, s24  }
0x53: {  	s24 =	sshll.u32 s23, $0x7;
	s23 =	sshll.u32 s23, $0x4  }
0x54: {  	s24 =	sand.u32 $0xFFFFFC00, s24;
	s23 =	sand.u32 $0x70, s23  }
0x55: {  	s25 =	sadd.s32 $0x150, s21;
	s26 =	spop (v2sf);
	s23 =	sor.u32 s23, s24  }
0x56: {  	p6 =	slt.s32 s26, $0x1;
	s28 =	sand.u32 $0xF, s26;
	s23 =	sadd.s32 s23, s22  }
0x57: {  	s29 =	sshra.s32 s26, $0x1F;
	p5 =	sne.s32 s28, $0x0;
	s23 =	sshrl.u32 s23, $0x3  }
0x58: {  	p0 =	por !p6, !p5;
	s24 =	sshrl.u32 s29, $0x1C;
	s23 =	sadd.s32 s23, s9  }
0x59: {  	[tilespmem:s25], [sflag:$0x1] =	stream.linear.gather [hbm4b:s23+s3], $0x10, $0x38;
	[tilespmem:$0x1180] =	vst v63  }
0x5a: {  	(v2sf) =	vpush v0, $0x8;
	p0 =	por !p0, !p0;
	s23 =	sadd.s32 s24, s26;
	s24 =	simm.s32 $0x1  }
0x5b: {  	s23 =	sshra.s32 s23, $0x4;
	s24 =	simm.s32 @!p0 $0x0  }
0x5c: {  	s23 =	ssub.s32 s23, s24  }
0x5d: {  	s24 =	sshll.u32 s23, $0x7;
	s23 =	sshll.u32 s23, $0x4  }
0x5e: {  	s24 =	sand.u32 $0xFFFFFC00, s24;
	s23 =	sand.u32 $0x70, s23  }
0x5f: {  	s30 =	sadd.s32 $0x160, s21;
	s31 =	spop (v2sf);
	s23 =	sor.u32 s23, s24  }
0x60: {  	p2 =	slt.s32 s31, $0x1;
	s25 =	sand.u32 $0xF, s31;
	s23 =	sadd.s32 s23, s22  }
0x61: {  	s26 =	sshra.s32 s31, $0x1F;
	p1 =	sne.s32 s25, $0x0;
	s23 =	sshrl.u32 s23, $0x3  }
0x62: {  	p0 =	por !p2, !p1;
	s24 =	sshrl.u32 s26, $0x1C;
	s23 =	sadd.s32 s23, s10  }
0x63: {  	[tilespmem:s30], [sflag:$0x1] =	stream.linear.gather [hbm4b:s23+s3], $0x10, $0x38;
	[tilespmem:$0x1180] =	vst v63  }
0x64: {  	(v2sf) =	vpush v0, $0x9;
	p0 =	por !p0, !p0;
	s23 =	sadd.s32 s24, s31;
	s24 =	simm.s32 $0x1  }
0x65: {  	s23 =	sshra.s32 s23, $0x4;
	s24 =	simm.s32 @!p0 $0x0  }
0x66: {  	s23 =	ssub.s32 s23, s24  }
0x67: {  	s24 =	sshll.u32 s23, $0x7;
	s23 =	sshll.u32 s23, $0x4  }
0x68: {  	s24 =	sand.u32 $0xFFFFFC00, s24;
	s23 =	sand.u32 $0x70, s23  }
0x69: {  	s28 =	sadd.s32 $0x170, s21;
	s29 =	spop (v2sf);
	s23 =	sor.u32 s23, s24  }
0x6a: {  	p3 =	slt.s32 s29, $0x1;
	s30 =	sand.u32 $0xF, s29;
	s22 =	sadd.s32 s23, s22  }
0x6b: {  	s31 =	sshra.s32 s29, $0x1F;
	p4 =	sne.s32 s30, $0x0;
	s22 =	sshrl.u32 s22, $0x3  }
0x6c: {  	p0 =	por !p3, !p4;
	s24 =	sshrl.u32 s31, $0x1C;
	s22 =	sadd.s32 s22, s11  }
0x6d: {  	[tilespmem:s28], [sflag:$0x1] =	stream.linear.gather [hbm4b:s22+s3], $0x10, $0x38;
	[tilespmem:$0x1180] =	vst v63  }
0x6e: {  	(v2sf) =	vpush v0, $0xA;
	p0 =	por !p0, !p0;
	s23 =	simm.s32 $0x1;
	s22 =	sadd.s32 s24, s29  }
0x6f: {  	s23 =	simm.s32 @!p0 $0x0;
	s22 =	sshra.s32 s22, $0x4  }
0x70: {  	s22 =	ssub.s32 s22, s23  }
0x71: {  	s25 =	rddreg [dreg:$0x5];
	s26 =	sshll.u32 s22, $0x7;
	s22 =	sshll.u32 s22, $0x4  }
0x72: {  	s28 =	sadd.s32 $0x180, s21;
	s24 =	sand.u32 $0xFFFFFC00, s26;
	s22 =	sand.u32 $0x70, s22  }
0x73: {  	s29 =	spop (v2sf);
	s24 =	sor.u32 s22, s24;
	s22 =	sadd.s32 s19, s25  }
0x74: {  	s30 =	sand.u32 $0xF, s29;
	s31 =	sshra.s32 s29, $0x1F;
	s23 =	sadd.s32 s24, s22  }
0x75: {  	p6 =	slt.s32 s29, $0x1;
	p5 =	sne.s32 s30, $0x0;
	s23 =	sshrl.u32 s23, $0x3  }
0x76: {  	p0 =	por !p6, !p5;
	s24 =	sshrl.u32 s31, $0x1C;
	s23 =	sadd.s32 s1, s23  }
0x77: {  	[tilespmem:s28], [sflag:$0x1] =	stream.linear.gather [hbm4b:s23+s3], $0x10, $0x38;
	[tilespmem:$0x1180] =	vst v63  }
0x78: {  	(v2sf) =	vpush v0, $0xB;
	p0 =	por !p0, !p0;
	s23 =	sadd.s32 s24, s29;
	s24 =	simm.s32 $0x1  }
0x79: {  	s23 =	sshra.s32 s23, $0x4;
	s24 =	simm.s32 @!p0 $0x0  }
0x7a: {  	s23 =	ssub.s32 s23, s24  }
0x7b: {  	s24 =	sshll.u32 s23, $0x7;
	s23 =	sshll.u32 s23, $0x4  }
0x7c: {  	s24 =	sand.u32 $0xFFFFFC00, s24;
	s23 =	sand.u32 $0x70, s23  }
0x7d: {  	s26 =	spop (v2sf);
	s25 =	sadd.s32 $0x190, s21;
	s23 =	sor.u32 s23, s24  }
0x7e: {  	p2 =	slt.s32 s26, $0x1;
	s28 =	sand.u32 $0xF, s26;
	s23 =	sadd.s32 s23, s22  }
0x7f: {  	s29 =	sshra.s32 s26, $0x1F;
	p1 =	sne.s32 s28, $0x0;
	s23 =	sshrl.u32 s23, $0x3  }
0x80: {  	p0 =	por !p2, !p1;
	s24 =	sshrl.u32 s29, $0x1C;
	s23 =	sadd.s32 s23, s5  }
0x81: {  	[tilespmem:s25], [sflag:$0x1] =	stream.linear.gather [hbm4b:s23+s3], $0x10, $0x38;
	[tilespmem:$0x1180] =	vst v63  }
0x82: {  	(v2sf) =	vpush v0, $0xC;
	p0 =	por !p0, !p0;
	s23 =	sadd.s32 s24, s26;
	s24 =	simm.s32 $0x1  }
0x83: {  	s23 =	sshra.s32 s23, $0x4;
	s24 =	simm.s32 @!p0 $0x0  }
0x84: {  	s23 =	ssub.s32 s23, s24  }
0x85: {  	s24 =	sshll.u32 s23, $0x7;
	s23 =	sshll.u32 s23, $0x4  }
0x86: {  	s24 =	sand.u32 $0xFFFFFC00, s24;
	s23 =	sand.u32 $0x70, s23  }
0x87: {  	s30 =	sadd.s32 $0x1A0, s21;
	s31 =	spop (v2sf);
	s23 =	sor.u32 s23, s24  }
0x88: {  	p4 =	slt.s32 s31, $0x1;
	s25 =	sand.u32 $0xF, s31;
	s23 =	sadd.s32 s23, s22  }
0x89: {  	s26 =	sshra.s32 s31, $0x1F;
	p3 =	sne.s32 s25, $0x0;
	s23 =	sshrl.u32 s23, $0x3  }
0x8a: {  	p0 =	por !p4, !p3;
	s24 =	sshrl.u32 s26, $0x1C;
	s23 =	sadd.s32 s23, s6  }
0x8b: {  	[tilespmem:s30], [sflag:$0x1] =	stream.linear.gather [hbm4b:s23+s3], $0x10, $0x38;
	[tilespmem:$0x1180] =	vst v63  }
0x8c: {  	(v2sf) =	vpush v0, $0xD;
	p0 =	por !p0, !p0;
	s23 =	sadd.s32 s24, s31;
	s24 =	simm.s32 $0x1  }
0x8d: {  	s23 =	sshra.s32 s23, $0x4;
	s24 =	simm.s32 @!p0 $0x0  }
0x8e: {  	s23 =	ssub.s32 s23, s24  }
0x8f: {  	s24 =	sshll.u32 s23, $0x7;
	s23 =	sshll.u32 s23, $0x4  }
0x90: {  	s24 =	sand.u32 $0xFFFFFC00, s24;
	s23 =	sand.u32 $0x70, s23  }
0x91: {  	s28 =	sadd.s32 $0x1B0, s21;
	s29 =	spop (v2sf);
	s23 =	sor.u32 s23, s24  }
0x92: {  	p6 =	slt.s32 s29, $0x1;
	s30 =	sand.u32 $0xF, s29;
	s23 =	sadd.s32 s23, s22  }
0x93: {  	s31 =	sshra.s32 s29, $0x1F;
	p5 =	sne.s32 s30, $0x0;
	s23 =	sshrl.u32 s23, $0x3  }
0x94: {  	p0 =	por !p6, !p5;
	s24 =	sshrl.u32 s31, $0x1C;
	s23 =	sadd.s32 s23, s7  }
0x95: {  	[tilespmem:s28], [sflag:$0x1] =	stream.linear.gather [hbm4b:s23+s3], $0x10, $0x38;
	[tilespmem:$0x1180] =	vst v63  }
0x96: {  	(v2sf) =	vpush v0, $0xE;
	p0 =	por !p0, !p0;
	s23 =	sadd.s32 s24, s29;
	s24 =	simm.s32 $0x1  }
0x97: {  	s23 =	sshra.s32 s23, $0x4;
	s24 =	simm.s32 @!p0 $0x0  }
0x98: {  	s23 =	ssub.s32 s23, s24  }
0x99: {  	s24 =	sshll.u32 s23, $0x7;
	s23 =	sshll.u32 s23, $0x4  }
0x9a: {  	s24 =	sand.u32 $0xFFFFFC00, s24;
	s23 =	sand.u32 $0x70, s23  }
0x9b: {  	s25 =	sadd.s32 $0x1C0, s21;
	s26 =	spop (v2sf);
	s23 =	sor.u32 s23, s24  }
0x9c: {  	p2 =	slt.s32 s26, $0x1;
	s28 =	sand.u32 $0xF, s26;
	s23 =	sadd.s32 s23, s22  }
0x9d: {  	s29 =	sshra.s32 s26, $0x1F;
	p1 =	sne.s32 s28, $0x0;
	s23 =	sshrl.u32 s23, $0x3  }
0x9e: {  	p0 =	por !p2, !p1;
	s24 =	sshrl.u32 s29, $0x1C;
	s23 =	sadd.s32 s23, s8  }
0x9f: {  	[tilespmem:s25], [sflag:$0x1] =	stream.linear.gather [hbm4b:s23+s3], $0x10, $0x38;
	[tilespmem:$0x1180] =	vst v63  }
0xa0: {  	(v2sf) =	vpush v0, $0xF;
	p0 =	por !p0, !p0;
	s23 =	sadd.s32 s24, s26;
	s24 =	simm.s32 $0x1  }
0xa1: {  	s23 =	sshra.s32 s23, $0x4;
	s24 =	simm.s32 @!p0 $0x0  }
0xa2: {  	s23 =	ssub.s32 s23, s24  }
0xa3: {  	s24 =	sshll.u32 s23, $0x7;
	s23 =	sshll.u32 s23, $0x4  }
0xa4: {  	s24 =	sand.u32 $0xFFFFFC00, s24;
	s23 =	sand.u32 $0x70, s23  }
0xa5: {  	s30 =	sadd.s32 $0x1D0, s21;
	s31 =	spop (v2sf);
	s23 =	sor.u32 s23, s24  }
0xa6: {  	p4 =	slt.s32 s31, $0x1;
	s25 =	sand.u32 $0xF, s31;
	s23 =	sadd.s32 s23, s22  }
0xa7: {  	s26 =	sshra.s32 s31, $0x1F;
	p3 =	sne.s32 s25, $0x0;
	s23 =	sshrl.u32 s23, $0x3  }
0xa8: {  	p0 =	por !p4, !p3;
	s24 =	sshrl.u32 s26, $0x1C;
	s23 =	sadd.s32 s23, s9  }
0xa9: {  	[tilespmem:s30], [sflag:$0x1] =	stream.linear.gather [hbm4b:s23+s3], $0x10, $0x38;
	[tilespmem:$0x1180] =	vst v63  }
0xaa: {  	p0 =	por !p0, !p0;
	s23 =	sadd.s32 s24, s31;
	s24 =	simm.s32 $0x1  }
0xab: {  	s23 =	sshra.s32 s23, $0x4;
	s24 =	simm.s32 @!p0 $0x0  }
0xac: {  	s23 =	ssub.s32 s23, s24  }
0xad: {  	s24 =	sshll.u32 s23, $0x7;
	s23 =	sshll.u32 s23, $0x4  }
0xae: {  	s24 =	sand.u32 $0xFFFFFC00, s24;
	s23 =	sand.u32 $0x70, s23  }
0xaf: {  	s28 =	sadd.s32 $0x1E0, s21;
	s29 =	spop (v2sf);
	s23 =	sor.u32 s23, s24  }
0xb0: {  	p6 =	slt.s32 s29, $0x1;
	s30 =	sand.u32 $0xF, s29;
	s23 =	sadd.s32 s23, s22  }
0xb1: {  	s31 =	sshra.s32 s29, $0x1F;
	p5 =	sne.s32 s30, $0x0;
	s23 =	sshrl.u32 s23, $0x3  }
0xb2: {  	p0 =	por !p6, !p5;
	s24 =	sshrl.u32 s31, $0x1C;
	s23 =	sadd.s32 s23, s10  }
0xb3: {  	[tilespmem:s28], [sflag:$0x1] =	stream.linear.gather [hbm4b:s23+s3], $0x10, $0x38;
	[tilespmem:$0x1180] =	vst v63  }
0xb4: {  	p0 =	por !p0, !p0;
	s23 =	sadd.s32 s24, s29;
	s24 =	simm.s32 $0x1  }
0xb5: {  	s23 =	sshra.s32 s23, $0x4;
	s24 =	simm.s32 @!p0 $0x0  }
0xb6: {  	s23 =	ssub.s32 s23, s24  }
0xb7: {  	s24 =	sshll.u32 s23, $0x7;
	s23 =	sshll.u32 s23, $0x4  }
0xb8: {  	p0 =	sne.s32 s20, $0x3C00;
	s24 =	sand.u32 $0xFFFFFC00, s24;
	s23 =	sand.u32 $0x70, s23  }
.Ltmp0:
0xb9: {  	s23 =	sor.u32 s23, s24;
	(pc) =	sbr.rel @p0 .LBB2_2-.Ltmp0, $4  }
0xba: {  	s22 =	sadd.s32 s23, s22  }
0xbb: {  	s18 =	sadd.s32 $0x10, s18;
	s19 =	sadd.s32 $0x7D000, s19;
	s22 =	sshrl.u32 s22, $0x3  }
0xbc: {  	s21 =	sadd.s32 $0x1F0, s21;
	s20 =	sadd.s32 $0x400, s20;
	s22 =	sadd.s32 s22, s11  }
0xbd: {  	[tilespmem:s21], [sflag:$0x1] =	stream.linear.gather [hbm4b:s22+s3], $0x10, $0x38;
	[tilespmem:$0x1180] =	vst v63  }
0xbe: {  	_ =	swait.ge [sflag:s15], $0x1000  }
0xbf: {  	[sflag:s15] =	ssyncset.done $0x0  }
0xc0: {  	s18 =	simm.s32 $0x0;
	[sflag:s15] =	ssyncadd.s32 $0xFFFFF000  }
0xc1: {  	v0 =	vld [tilespmem:s18+$0x0];
	_ =	sdelay $0x4  }
0xc2: {  	(v2sf) =	vpush v0, $0x0;
	_ =	sdelay $0x1  }
0xc3: {  	(v2sf) =	vpush v0, $0x1;
	_ =	sdelay $0x1  }
0xc4: {  	(v2sf) =	vpush v0, $0x2;
	_ =	sdelay $0x1  }
0xc5: {  	(v2sf) =	vpush v0, $0x3;
	_ =	sdelay $0x1  }
0xc6: {  	(v2sf) =	vpush v0, $0x4;
	_ =	sdelay $0x1  }
0xc7: {  	s18 =	simm.s32 $0x180;
	(v2sf) =	vpush v0, $0x5  }
0xc8: {  	v1 =	vld [tilespmem:s18+$0xFFFFFF80];
	(v2sf) =	vpush v0, $0x6;
	_ =	sdelay $0x1  }
0xc9: {  	v2 =	vld [tilespmem:s18+$0xFFFFFF90]  }
0xca: {  	v4 =	vld [tilespmem:s18+$0xFFFFFFA0];
	v3 =	vbroadcast v0, $0x0;
	(v2sf) =	vpush v0, $0x7  }
0xcb: {  	s19 =	spop (v2sf)  }
0xcc: {  	v5 =	vbroadcast v0, $0x1;
	v1 =	vperm.xlane v1, v3;
	(v2sf) =	vpush v0, $0x8;
	p0 =	seq.s32 s19, $0x0;
	s19 =	simm.f32 $0.0e+00  }
0xcd: {  	v6 =	vld [tilespmem:s18+$0xFFFFFFB0];
	v3 =	vbroadcast v0, $0x2;
	s20 =	spop (v2sf);
	s19 =	simm.s32 @!p0 $0x3D800000  }
0xce: {  	v8 =	vld [tilespmem:s18+$0xFFFFFFC0];
	v2 =	vperm.xlane v2, v5;
	(v2sf) =	vpush v0, $0x9;
	p0 =	seq.s32 s20, $0x0;
	v1 =	vmul.f32 s19, v1;
	s19 =	simm.f32 $0.0e+00  }
0xcf: {  	v7 =	vbroadcast v0, $0x3;
	v5 =	vimm.f32 $0.0e+00;
	v3 =	vperm.xlane v4, v3;
	s28 =	spop (v2sf);
	s19 =	simm.s32 @!p0 $0x3D800000  }
0xd0: {  	(v2sf) =	vpush v0, $0xA;
	p0 =	seq.s32 s28, $0x0;
	v1 =	vadd.f32 v1, v5;
	v2 =	vmul.f32 s19, v2;
	s19 =	simm.f32 $0.0e+00  }
0xd1: {  	v9 =	vld [tilespmem:s18+$0xFFFFFFD0];
	v4 =	vbroadcast v0, $0x4;
	s29 =	spop (v2sf);
	(v2sf) =	vpush v0, $0xB;
	s19 =	simm.s32 @!p0 $0x3D800000  }
0xd2: {  	v5 =	vperm.xlane v6, v7;
	p0 =	seq.s32 s29, $0x0;
	v1 =	vadd.f32 v1, v2;
	v3 =	vmul.f32 s19, v3;
	s19 =	simm.f32 $0.0e+00  }
0xd3: {  	v8 =	vperm.xlane v8, v4;
	s30 =	spop (v2sf);
	(v2sf) =	vpush v0, $0xC;
	s19 =	simm.s32 @!p0 $0x3D800000  }
0xd4: {  	s20 =	simm.f32 $0.0e+00;
	v7 =	vbroadcast v0, $0x5;
	v2 =	vld [tilespmem:s18+$0xFFFFFFE0];
	p0 =	seq.s32 s30, $0x0;
	v6 =	vadd.f32 v1, v3;
	v5 =	vmul.f32 s19, v5  }
0xd5: {  	s31 =	simm.s32 $0x10;
	v4 =	vbroadcast v0, $0x6;
	s21 =	spop (v2sf);
	(v2sf) =	vpush v0, $0xD;
	s20 =	simm.s32 @!p0 $0x3D800000;
	v3 =	vld [tilespmem:s18+$0xFFFFFFF0]  }
0xd6: {  	p1 =	seq.s32 s21, $0x0;
	v7 =	vperm.xlane v9, v7;
	v1 =	vld [tilespmem:s31+$0x0];
	s19 =	simm.s32 $0x80;
	v5 =	vadd.f32 v5, v6;
	v6 =	vmul.f32 s20, v8;
	s20 =	spop (v2sf)  }
.LBB2_4:
0xd7: {  	s21 =	simm.f32 $0.0e+00  }
0xd8: {  	p0 =	sne.s32 s19, $0x3C0;
	v8 =	vbroadcast v0, $0x7;
	v9 =	vld [tilespmem:s18+$0x0];
	(v2sf) =	vpush v0, $0xE;
	s21 =	simm.s32 @!p1 $0x3D800000  }
0xd9: {  	v5 =	vadd.f32 v6, v5;
	v2 =	vperm.xlane v2, v4;
	p1 =	seq.s32 s20, $0x0;
	v6 =	vmul.f32 s21, v7;
	s20 =	spop (v2sf);
	s21 =	simm.f32 $0.0e+00  }
0xda: {  	v4 =	vbroadcast v0, $0x8;
	s21 =	simm.s32 @!p1 $0x3D800000;
	v7 =	vld [tilespmem:s18+$0x10];
	(v2sf) =	vpush v0, $0xF  }
0xdb: {  	v3 =	vperm.xlane v3, v8;
	p1 =	seq.s32 s20, $0x0;
	v5 =	vadd.f32 v6, v5;
	v2 =	vmul.f32 s21, v2;
	s20 =	spop (v2sf);
	s21 =	simm.f32 $0.0e+00  }
0xdc: {  	v6 =	vbroadcast v0, $0x9;
	(v2sf) =	vpush v1, $0x0;
	s21 =	simm.s32 @!p1 $0x3D800000;
	v8 =	vld [tilespmem:s18+$0x20]  }
0xdd: {  	v4 =	vperm.xlane v9, v4;
	p1 =	seq.s32 s20, $0x0;
	v2 =	vadd.f32 v2, v5;
	v3 =	vmul.f32 s21, v3;
	s20 =	spop (v2sf);
	s21 =	simm.f32 $0.0e+00  }
0xde: {  	v5 =	vbroadcast v0, $0xA;
	(v2sf) =	vpush v1, $0x1;
	s21 =	simm.s32 @!p1 $0x3D800000;
	v9 =	vld [tilespmem:s18+$0x30]  }
0xdf: {  	p1 =	seq.s32 s20, $0x0;
	v2 =	vadd.f32 v3, v2;
	v3 =	vmul.f32 s21, v4;
	v4 =	vperm.xlane v7, v6;
	s20 =	spop (v2sf);
	s21 =	simm.f32 $0.0e+00  }
0xe0: {  	v6 =	vbroadcast v0, $0xB;
	(v2sf) =	vpush v1, $0x2;
	s21 =	simm.s32 @!p1 $0x3D800000;
	v7 =	vld [tilespmem:s18+$0x40]  }
0xe1: {  	p1 =	seq.s32 s20, $0x0;
	v2 =	vadd.f32 v3, v2;
	v3 =	vmul.f32 s21, v4;
	v4 =	vperm.xlane v8, v5;
	s20 =	spop (v2sf);
	s21 =	simm.f32 $0.0e+00  }
0xe2: {  	v5 =	vbroadcast v0, $0xC;
	(v2sf) =	vpush v1, $0x3;
	s21 =	simm.s32 @!p1 $0x3D800000;
	v8 =	vld [tilespmem:s18+$0x50]  }
0xe3: {  	p1 =	seq.s32 s20, $0x0;
	v2 =	vadd.f32 v3, v2;
	v3 =	vmul.f32 s21, v4;
	v4 =	vperm.xlane v9, v6;
	s20 =	spop (v2sf);
	s21 =	simm.f32 $0.0e+00  }
0xe4: {  	v6 =	vbroadcast v0, $0xD;
	(v2sf) =	vpush v1, $0x4;
	s21 =	simm.s32 @!p1 $0x3D800000;
	v9 =	vld [tilespmem:s18+$0x60]  }
0xe5: {  	p1 =	seq.s32 s20, $0x0;
	v2 =	vadd.f32 v3, v2;
	v3 =	vmul.f32 s21, v4;
	v4 =	vperm.xlane v7, v5;
	s20 =	spop (v2sf);
	s21 =	simm.f32 $0.0e+00  }
0xe6: {  	v5 =	vbroadcast v0, $0xE;
	(v2sf) =	vpush v1, $0x5;
	s21 =	simm.s32 @!p1 $0x3D800000;
	v7 =	vld [tilespmem:s18+$0x70];
	p1 =	seq.s32 s20, $0x0  }
0xe7: {  	s18 =	sadd.s32 $0x100, s18;
	v2 =	vadd.f32 v3, v2;
	v3 =	vmul.f32 s21, v4;
	v4 =	vperm.xlane v8, v6;
	s20 =	spop (v2sf);
	s21 =	simm.f32 $0.0e+00  }
0xe8: {  	v8 =	vbroadcast v0, $0xF;
	v0 =	vmov v1;
	v6 =	vld [tilespmem:s18+$0xFFFFFF80];
	(v2sf) =	vpush v1, $0x6;
	s21 =	simm.s32 @!p1 $0x3D800000  }
0xe9: {  	p1 =	seq.s32 s20, $0x0;
	v1 =	vadd.f32 v3, v2;
	v2 =	vmul.f32 s21, v4;
	v3 =	vperm.xlane v9, v5;
	s20 =	spop (v2sf);
	s21 =	simm.f32 $0.0e+00  }
0xea: {  	v4 =	vbroadcast v0, $0x0;
	v5 =	vld [tilespmem:s18+$0xFFFFFF90];
	(v2sf) =	vpush v0, $0x7;
	s21 =	simm.s32 @!p1 $0x3D800000  }
0xeb: {  	p1 =	seq.s32 s20, $0x0;
	s20 =	simm.f32 $0.0e+00;
	s22 =	spop (v2sf);
	v1 =	vadd.f32 v2, v1;
	v2 =	vmul.f32 s21, v3;
	v3 =	vperm.xlane v7, v8  }
0xec: {  	v7 =	vbroadcast v0, $0x1;
	s20 =	simm.s32 @!p1 $0x3D800000;
	v8 =	vld [tilespmem:s18+$0xFFFFFFA0];
	(v2sf) =	vpush v0, $0x8  }
0xed: {  	p1 =	seq.s32 s22, $0x0;
	v4 =	vperm.xlane v6, v4;
	s21 =	spop (v2sf);
	v1 =	vadd.f32 v2, v1;
	v2 =	vmul.f32 s20, v3;
	s20 =	simm.f32 $0.0e+00  }
0xee: {  	v3 =	vbroadcast v0, $0x2;
	s20 =	simm.s32 @!p1 $0x3D800000;
	v6 =	vld [tilespmem:s18+$0xFFFFFFB0];
	(v2sf) =	vpush v0, $0x9  }
0xef: {  	p1 =	seq.s32 s21, $0x0;
	s21 =	simm.f32 $0.0e+00;
	v4 =	vmul.f32 s20, v4;
	v5 =	vperm.xlane v5, v7;
	s20 =	spop (v2sf);
	v1 =	vadd.f32 v2, v1  }
0xf0: {  	s21 =	simm.s32 @!p1 $0x3D800000;
	v2 =	vbroadcast v0, $0x3;
	v7 =	vld [tilespmem:s18+$0xFFFFFFC0];
	(v2sf) =	vpush v0, $0xA  }
0xf1: {  	p1 =	seq.s32 s20, $0x0;
	v1 =	vadd.f32 v4, v1;
	v4 =	vmul.f32 s21, v5;
	v3 =	vperm.xlane v8, v3;
	s20 =	spop (v2sf);
	s21 =	simm.f32 $0.0e+00  }
0xf2: {  	v5 =	vbroadcast v0, $0x4;
	s21 =	simm.s32 @!p1 $0x3D800000;
	v8 =	vld [tilespmem:s18+$0xFFFFFFD0];
	(v2sf) =	vpush v0, $0xB;
	p1 =	seq.s32 s20, $0x0  }
.Ltmp1:
0xf3: {  	v1 =	vadd.f32 v1, v4;
	v3 =	vmul.f32 s21, v3;
	v4 =	vperm.xlane v6, v2;
	s20 =	spop (v2sf);
	s21 =	simm.f32 $0.0e+00;
	(pc) =	sbr.rel @p0 .LBB2_4-.Ltmp1, $4  }
0xf4: {  	v9 =	vbroadcast v0, $0x5;
	s21 =	simm.s32 @!p1 $0x3D800000;
	v2 =	vld [tilespmem:s18+$0xFFFFFFE0];
	(v2sf) =	vpush v0, $0xC  }
0xf5: {  	s22 =	simm.f32 $0.0e+00;
	p1 =	seq.s32 s20, $0x0;
	v6 =	vadd.f32 v1, v3;
	v10 =	vmul.f32 s21, v4;
	v7 =	vperm.xlane v7, v5;
	s20 =	spop (v2sf)  }
0xf6: {  	s21 =	sshra.s32 s19, $0x2;
	s22 =	simm.s32 @!p1 $0x3D800000;
	v4 =	vbroadcast v0, $0x6;
	v3 =	vld [tilespmem:s18+$0xFFFFFFF0];
	(v2sf) =	vpush v0, $0xD  }
0xf7: {  	s19 =	sadd.s32 $0x40, s19;
	p1 =	seq.s32 s20, $0x0;
	v1 =	vld [tilespmem:s21+$0x0];
	v5 =	vadd.f32 v10, v6;
	v6 =	vmul.f32 s22, v7;
	v7 =	vperm.xlane v8, v9;
	s20 =	spop (v2sf)  }
0xf8: {  	s19 =	simm.f32 $0.0e+00  }
0xf9: {  	v8 =	vbroadcast v0, $0x7;
	v9 =	vld [tilespmem:s18+$0x0];
	(v2sf) =	vpush v0, $0xE;
	s19 =	simm.s32 @!p1 $0x3D800000  }
0xfa: {  	p0 =	seq.s32 s20, $0x0;
	v5 =	vadd.f32 v6, v5;
	v2 =	vperm.xlane v2, v4;
	v33 =	vmul.f32 s19, v7;
	s19 =	simm.f32 $0.0e+00  }
0xfb: {  	v34 =	vbroadcast v0, $0x8;
	v35 =	vld [tilespmem:s18+$0x10];
	s26 =	spop (v2sf);
	(v2sf) =	vpush v0, $0xF;
	s19 =	simm.s32 @!p0 $0x3D800000  }
0xfc: {  	v37 =	vld [tilespmem:s18+$0x20];
	v3 =	vperm.xlane v3, v8;
	p0 =	seq.s32 s26, $0x0;
	v5 =	vadd.f32 v33, v5;
	v2 =	vmul.f32 s19, v2;
	s19 =	simm.f32 $0.0e+00  }
0xfd: {  	v36 =	vbroadcast v0, $0x9;
	s28 =	spop (v2sf);
	(v2sf) =	vpush v1, $0x0;
	s19 =	simm.s32 @!p0 $0x3D800000  }
0xfe: {  	v39 =	vld [tilespmem:s18+$0x30];
	v4 =	vperm.xlane v9, v34;
	p0 =	seq.s32 s28, $0x0;
	v2 =	vadd.f32 v2, v5;
	v3 =	vmul.f32 s19, v3;
	s19 =	simm.f32 $0.0e+00  }
0xff: {  	v38 =	vbroadcast v0, $0xA;
	s29 =	spop (v2sf);
	(v2sf) =	vpush v1, $0x1;
	s19 =	simm.s32 @!p0 $0x3D800000  }
0x100: {  	v43 =	vld [tilespmem:s18+$0x40];
	v41 =	vperm.xlane v35, v36;
	p0 =	seq.s32 s29, $0x0;
	v2 =	vadd.f32 v3, v2;
	v40 =	vmul.f32 s19, v4;
	s19 =	simm.f32 $0.0e+00  }
0x101: {  	v42 =	vbroadcast v0, $0xB;
	v45 =	vperm.xlane v37, v38;
	s30 =	spop (v2sf);
	s19 =	simm.s32 @!p0 $0x3D800000  }
0x102: {  	v47 =	vld [tilespmem:s18+$0x50];
	(v2sf) =	vpush v1, $0x2;
	p0 =	seq.s32 s30, $0x0;
	v2 =	vadd.f32 v40, v2;
	v44 =	vmul.f32 s19, v41;
	s19 =	simm.f32 $0.0e+00  }
0x103: {  	v46 =	vbroadcast v0, $0xC;
	v49 =	vperm.xlane v39, v42;
	s31 =	spop (v2sf);
	s19 =	simm.s32 @!p0 $0x3D800000  }
0x104: {  	v51 =	vld [tilespmem:s18+$0x60];
	(v2sf) =	vpush v1, $0x3;
	p0 =	seq.s32 s31, $0x0;
	v2 =	vadd.f32 v44, v2;
	v48 =	vmul.f32 s19, v45;
	s19 =	simm.f32 $0.0e+00  }
0x105: {  	v50 =	vbroadcast v0, $0xD;
	v53 =	vperm.xlane v43, v46;
	s21 =	spop (v2sf);
	s19 =	simm.s32 @!p0 $0x3D800000  }
0x106: {  	v55 =	vld [tilespmem:s18+$0x70];
	(v2sf) =	vpush v1, $0x4;
	p0 =	seq.s32 s21, $0x0;
	v2 =	vadd.f32 v48, v2;
	v52 =	vmul.f32 s19, v49;
	s19 =	simm.f32 $0.0e+00  }
0x107: {  	v54 =	vbroadcast v0, $0xE;
	s18 =	sadd.s32 $0x100, s18;
	v57 =	vperm.xlane v47, v50;
	s22 =	spop (v2sf);
	s19 =	simm.s32 @!p0 $0x3D800000  }
0x108: {  	v58 =	vld [tilespmem:s18+$0xFFFFFF80];
	(v2sf) =	vpush v1, $0x5;
	p0 =	seq.s32 s22, $0x0;
	v2 =	vadd.f32 v52, v2;
	v56 =	vmul.f32 s19, v53;
	s19 =	simm.f32 $0.0e+00  }
0x109: {  	v59 =	vbroadcast v0, $0xF;
	v61 =	vperm.xlane v51, v54;
	s23 =	spop (v2sf);
	s19 =	simm.s32 @!p0 $0x3D800000  }
0x10a: {  	v63 =	vld [tilespmem:s18+$0xFFFFFF90];
	(v2sf) =	vpush v1, $0x6;
	p0 =	seq.s32 s23, $0x0;
	v2 =	vadd.f32 v56, v2;
	v60 =	vmul.f32 s19, v57;
	s19 =	simm.f32 $0.0e+00  }
0x10b: {  	v62 =	vbroadcast v1, $0x0;
	v0 =	vperm.xlane v55, v59;
	s24 =	spop (v2sf);
	s19 =	simm.s32 @!p0 $0x3D800000  }
0x10c: {  	v14 =	vld [tilespmem:s18+$0xFFFFFFA0];
	(v2sf) =	vpush v1, $0x7;
	p0 =	seq.s32 s24, $0x0;
	v2 =	vadd.f32 v60, v2;
	v12 =	vmul.f32 s19, v61;
	s19 =	simm.f32 $0.0e+00  }
0x10d: {  	v13 =	vbroadcast v1, $0x1;
	v5 =	vperm.xlane v58, v62;
	s25 =	spop (v2sf);
	s19 =	simm.s32 @!p0 $0x3D800000  }
0x10e: {  	(v2sf) =	vpush v1, $0x8;
	p0 =	seq.s32 s25, $0x0;
	v2 =	vadd.f32 v12, v2;
	v0 =	vmul.f32 s19, v0;
	s19 =	simm.f32 $0.0e+00  }
0x10f: {  	v16 =	vld [tilespmem:s18+$0xFFFFFFB0];
	v15 =	vbroadcast v1, $0x2;
	v4 =	vperm.xlane v63, v13;
	s26 =	spop (v2sf);
	s19 =	simm.s32 @!p0 $0x3D800000  }
0x110: {  	v18 =	vld [tilespmem:s18+$0xFFFFFFC0];
	(v2sf) =	vpush v1, $0x9;
	p0 =	seq.s32 s26, $0x0;
	v5 =	vmul.f32 s19, v5;
	v0 =	vadd.f32 v0, v2;
	s19 =	simm.f32 $0.0e+00  }
0x111: {  	v17 =	vbroadcast v1, $0x3;
	v3 =	vperm.xlane v14, v15;
	s28 =	spop (v2sf);
	s19 =	simm.s32 @!p0 $0x3D800000  }
0x112: {  	v20 =	vld [tilespmem:s18+$0xFFFFFFD0];
	(v2sf) =	vpush v1, $0xA;
	p0 =	seq.s32 s28, $0x0;
	v0 =	vadd.f32 v5, v0;
	v4 =	vmul.f32 s19, v4;
	s19 =	simm.f32 $0.0e+00  }
0x113: {  	v19 =	vbroadcast v1, $0x4;
	s29 =	spop (v2sf);
	(v2sf) =	vpush v1, $0xB;
	s19 =	simm.s32 @!p0 $0x3D800000  }
0x114: {  	v22 =	vld [tilespmem:s18+$0xFFFFFFE0];
	v2 =	vperm.xlane v16, v17;
	p0 =	seq.s32 s29, $0x0;
	v0 =	vadd.f32 v0, v4;
	v3 =	vmul.f32 s19, v3;
	s19 =	simm.f32 $0.0e+00  }
0x115: {  	v21 =	vbroadcast v1, $0x5;
	v23 =	vperm.xlane v18, v19;
	s30 =	spop (v2sf);
	s19 =	simm.s32 @!p0 $0x3D800000  }
0x116: {  	v25 =	vld [tilespmem:s18+$0xFFFFFFF0];
	(v2sf) =	vpush v1, $0xC;
	p0 =	seq.s32 s30, $0x0;
	v0 =	vadd.f32 v0, v3;
	v2 =	vmul.f32 s19, v2;
	s19 =	simm.f32 $0.0e+00  }
0x117: {  	v24 =	vbroadcast v1, $0x6;
	v27 =	vperm.xlane v20, v21;
	s31 =	spop (v2sf);
	s19 =	simm.s32 @!p0 $0x3D800000  }
0x118: {  	(v2sf) =	vpush v1, $0xD;
	p0 =	seq.s32 s31, $0x0;
	v0 =	vadd.f32 v2, v0;
	v26 =	vmul.f32 s19, v23;
	s19 =	simm.f32 $0.0e+00  }
0x119: {  	v29 =	vld [tilespmem:s18+$0x0];
	v28 =	vbroadcast v1, $0x7;
	v31 =	vperm.xlane v22, v24;
	s21 =	spop (v2sf);
	s19 =	simm.s32 @!p0 $0x3D800000  }
0x11a: {  	v33 =	vld [tilespmem:s18+$0x10];
	(v2sf) =	vpush v1, $0xE;
	p0 =	seq.s32 s21, $0x0;
	v0 =	vadd.f32 v26, v0;
	v30 =	vmul.f32 s19, v27;
	s19 =	simm.f32 $0.0e+00  }
0x11b: {  	v32 =	vbroadcast v1, $0x8;
	v35 =	vperm.xlane v25, v28;
	s22 =	spop (v2sf);
	s19 =	simm.s32 @!p0 $0x3D800000  }
0x11c: {  	(v2sf) =	vpush v1, $0xF;
	p0 =	seq.s32 s22, $0x0;
	v0 =	vadd.f32 v30, v0;
	v34 =	vmul.f32 s19, v31;
	s19 =	simm.f32 $0.0e+00  }
0x11d: {  	v36 =	vbroadcast v1, $0x9;
	v37 =	vld [tilespmem:s18+$0x20];
	s23 =	spop (v2sf);
	s19 =	simm.s32 @!p0 $0x3D800000  }
0x11e: {  	v39 =	vperm.xlane v29, v32;
	p0 =	seq.s32 s23, $0x0;
	v0 =	vadd.f32 v34, v0;
	v38 =	vmul.f32 s19, v35;
	s19 =	simm.f32 $0.0e+00  }
0x11f: {  	v43 =	vperm.xlane v33, v36;
	v41 =	vld [tilespmem:s18+$0x30];
	s24 =	spop (v2sf);
	s19 =	simm.s32 @!p0 $0x3D800000  }
0x120: {  	v40 =	vbroadcast v1, $0xA;
	p0 =	seq.s32 s24, $0x0;
	v0 =	vadd.f32 v38, v0;
	v42 =	vmul.f32 s19, v39;
	s19 =	simm.f32 $0.0e+00  }
0x121: {  	v44 =	vbroadcast v1, $0xB;
	v45 =	vld [tilespmem:s18+$0x40];
	s25 =	spop (v2sf);
	s19 =	simm.s32 @!p0 $0x3D800000  }
0x122: {  	v47 =	vperm.xlane v37, v40;
	p0 =	seq.s32 s25, $0x0;
	v0 =	vadd.f32 v42, v0;
	v46 =	vmul.f32 s19, v43;
	s19 =	simm.f32 $0.0e+00  }
0x123: {  	v48 =	vbroadcast v1, $0xC;
	v49 =	vld [tilespmem:s18+$0x50];
	s26 =	spop (v2sf);
	s19 =	simm.s32 @!p0 $0x3D800000  }
0x124: {  	v51 =	vperm.xlane v41, v44;
	p0 =	seq.s32 s26, $0x0;
	v0 =	vadd.f32 v46, v0;
	v50 =	vmul.f32 s19, v47;
	s19 =	simm.f32 $0.0e+00  }
0x125: {  	v52 =	vbroadcast v1, $0xD;
	v53 =	vld [tilespmem:s18+$0x60];
	s28 =	spop (v2sf);
	s19 =	simm.s32 @!p0 $0x3D800000  }
0x126: {  	v55 =	vperm.xlane v45, v48;
	p0 =	seq.s32 s28, $0x0;
	v0 =	vadd.f32 v50, v0;
	v54 =	vmul.f32 s19, v51;
	s19 =	simm.f32 $0.0e+00  }
0x127: {  	v56 =	vbroadcast v1, $0xE;
	v57 =	vld [tilespmem:s18+$0x70];
	s29 =	spop (v2sf);
	s19 =	simm.s32 @!p0 $0x3D800000  }
0x128: {  	s18 =	simm.f32 $0.0e+00;
	v59 =	vperm.xlane v49, v52;
	p0 =	seq.s32 s29, $0x0;
	v0 =	vadd.f32 v54, v0;
	v58 =	vmul.f32 s19, v55  }
0x129: {  	v60 =	vbroadcast v1, $0xF;
	s30 =	spop (v2sf);
	s18 =	simm.s32 @!p0 $0x3D800000  }
0x12a: {  	v62 =	vperm.xlane v53, v56;
	p0 =	seq.s32 s30, $0x0;
	v61 =	vmul.f32 s18, v59;
	s18 =	simm.f32 $0.0e+00;
	v0 =	vadd.f32 v58, v0  }
0x12b: {  	s31 =	spop (v2sf);
	s18 =	simm.s32 @!p0 $0x3D800000  }
0x12c: {  	v1 =	vperm.xlane v57, v60;
	p0 =	seq.s32 s31, $0x0;
	v63 =	vmul.f32 s18, v62;
	s18 =	simm.f32 $0.0e+00;
	v0 =	vadd.f32 v61, v0  }
0x12d: {  	s18 =	simm.s32 @!p0 $0x3D800000  }
0x12e: {  	v1 =	vmul.f32 s18, v1;
	v0 =	vadd.f32 v63, v0;
	_ =	sdelay $0x1  }
0x12f: {  	s17 =	sadd.s32 $0x1, s17;
	v0 =	vadd.f32 v1, v0  }
0x130: {  	p0 =	sne.s32 s17, s13  }
.Ltmp2:
0x131: {  	[tilespmem:$0x1100] =	vst v0;
	(pc) =	sbr.rel @p0 .LBB2_1-.Ltmp2, $4  }
0x132: {  	[hbm4b:s12+s3] =	stream.linear.scatter [tilespmem:s16], [sflag:$0x2], $0x80, $0x38;
	[tilespmem:$0x1180] =	vst v63  }
0x133: {  	_ =	swait.ge [sflag:s14], $0x80  }
0x134: {  	[sflag:s14] =	ssyncset.done $0x0  }
0x135: {  	[sflag:s14] =	ssyncadd.s32 $0xFFFFFF80  }
0x136: {  	_ =	sfence.sel $0x180000  }
0x137: {  	[bflag:$0x0] =	sbarrier.arrive $0xFFFF  }
0x138: {  	p0 =	sne.s32 s2, $0x0;
	_ =	strace $0x90000047  }
0x139: {  	s0 =	sadd.s32 @!p0 $0x100000, s0;
	[bflag:$0x2] =	sbarrier.arrive $0xFFFF  }
0x13a: {  	[sflag:s0] =	ssyncadd.tile.s32 @!p0 $0x1;
	_ =	shalt  }
.Lfunc_end2:
_tile_overlayer_lowered:
.L_overlay_start_2:
0x13b: {  	(tag) =	ssettag $0x2  }
0x13c: {  	s0 =	rddreg [dreg:$0x0];
	s2 =	stileid.u32  }
0x13d: {  	s1 =	rddreg [dreg:$0x1];
	p0 =	sne.s32 s2, $0x0  }
0x13e: {  	s3 =	rddreg [dreg:$0x2];
	[bflag:$0x3] =	sbarrier.arrive $0xFFFF;
	s2 =	simm.s32 @!p0 $0x1C02  }
0x13f: {  	[timem:s3], [sflag:s2] =	dma.local @!p0 [hbm:s0], s1  }
0x140: {  	s0 =	simm.s32 @!p0 $0x2  }
0x141: {  	_ =	swait.ge @!p0 [sflag:s0], s1  }
0x142: {  	s1 =	ssub.s32 @!p0 $0x0, s1;
	[sflag:s0] =	ssyncset.done @!p0 $0x0  }
0x143: {  	[sflag:s0] =	ssyncadd.s32 @!p0 s1  }
0x144: {  	[bflag:$0x3] =	sbarrier.arrive $0xFFFF  }
0x145: {  	_ =	shalt  }

</sc_bundles>
